<compile_context>
chip_gen: v7x
topology: tpu7x:2x2x1
jax: 0.10.2.dev20260603
libtpu: 0.0.44.dev20260713+nightly
codegen_flags: <defaults>
</compile_context>

<pallas_src>
import functools

import jax
import jax.numpy as jnp
from jax.experimental import pallas as pl
from jax.experimental.pallas import tpu as pltpu
from jax.experimental.pallas import tpu_sc as plsc

_N = 10000
_E = 320000
_D = 128
_G = 256
_BN = 1000
_NBLK = _N // _BN

_NW = 32
_KPAIR = 160
_K0 = 112
_K1 = _KPAIR - _K0
_KHMAX = max(_K0, _K1) // 2
_PADROWS = 16 * _KPAIR
_KDEG = _PADROWS // _NW
_NACC = 10112
_TSLICE = _NACC // 16
_NDEG = 10240
_TSDEG = _NDEG // 16

_f32 = jnp.float32


def _sc_mesh():
  return plsc.VectorSubcoreMesh(
      core_axis_name="c", subcore_axis_name="s", num_cores=2, num_subcores=16)



def _deg_body(dst_hbm, zdeg_hbm, ones_hbm, deg_hbm, idx_v, ones_v, acc):
  c = jax.lax.axis_index("c")
  s = jax.lax.axis_index("s")
  wid = s * 2 + c
  sl = pl.ds(s * _TSDEG, _TSDEG)
  pltpu.sync_copy(zdeg_hbm, acc.at[sl])
  plsc.subcore_barrier()
  pltpu.sync_copy(dst_hbm.at[pl.ds(wid * _KDEG, _KDEG)], idx_v)
  pltpu.sync_copy(ones_hbm, ones_v)

  @pl.loop(0, _KDEG)
  def _(j):
    pltpu.sync_copy(ones_v, acc.at[idx_v.at[j]], add=True)

  plsc.subcore_barrier()
  pltpu.sync_copy(acc.at[sl], deg_hbm.at[pl.ds(c * _NDEG + s * _TSDEG,
                                               _TSDEG)])


def _scat_body(h_hbm, src_hbm, dst_hbm, zrow_hbm, out_hbm,
               srcv, dstv, rows, acc, gsem):
  c = jax.lax.axis_index("c")
  s = jax.lax.axis_index("s")
  sl = pl.ds(s * _TSLICE, _TSLICE)
  rh = jnp.where(c == 0, _K0 // 2, _K1 // 2)

  def _load_idx_and_prime(base):
    pltpu.sync_copy(src_hbm.at[pl.ds(base, _KHMAX)], srcv)
    pltpu.sync_copy(dst_hbm.at[pl.ds(base, _KHMAX)], dstv)
    pltpu.async_copy(h_hbm.at[srcv.at[0]], rows.at[0], gsem)

  base0 = s * _KPAIR + c * _K0
  _load_idx_and_prime(base0)
  pltpu.sync_copy(zrow_hbm, acc.at[sl])
  plsc.subcore_barrier()
  for h in range(2):
    if h == 1:
      _load_idx_and_prime(base0 + rh)

    @pl.loop(0, _KHMAX)
    def _(j):
      cur = jax.lax.rem(j, 2)

      @pl.when(j < rh)
      def _():
        pltpu.make_async_copy(h_hbm.at[srcv.at[j]], rows.at[cur], gsem).wait()

      @pl.when(j + 1 < rh)
      def _():
        pltpu.async_copy(h_hbm.at[srcv.at[j + 1]], rows.at[1 - cur], gsem)

      @pl.when(j < rh)
      def _():
        pltpu.sync_copy(rows.at[cur], acc.at[dstv.at[j]], add=True)

  plsc.subcore_barrier()
  pltpu.sync_copy(acc.at[sl], out_hbm.at[c, sl])


def _make_deg_kernel():
  return pl.kernel(
      _deg_body,
      out_type=jax.ShapeDtypeStruct((2 * _NDEG,), _f32),
      mesh=_sc_mesh(),
      scratch_types=[
          pltpu.VMEM((_KDEG, 128), jnp.int32),
          pltpu.VMEM((128,), _f32),
          pltpu.VMEM_SHARED((_NDEG,), _f32),
      ])


def _make_scat_kernel():
  return pl.kernel(
      _scat_body,
      out_type=jax.ShapeDtypeStruct((2, _NACC, _D), _f32),
      mesh=_sc_mesh(),
      scratch_types=[
          pltpu.VMEM((_KHMAX, 128), jnp.int32),
          pltpu.VMEM((_KHMAX, 128), jnp.int32),
          pltpu.VMEM((2, 128, _D), _f32),
          pltpu.VMEM_SHARED((_NACC, _D), _f32),
          pltpu.SemaphoreType.DMA,
      ])



def _mm0_body(x_ref, w_ref, da_ref, db_ref, hp_ref, dis_ref):
  deg = 1.0 + da_ref[...] + db_ref[...]
  dis = jax.lax.rsqrt(deg)
  h = jnp.dot(x_ref[...], w_ref[...], preferred_element_type=_f32)
  hp_ref[...] = h * dis
  dis_ref[...] = dis


def _bn_affine(s1, s2, g, be):
  mu = s1 * (1.0 / _N)
  var = s2 * (1.0 / _N) - mu * mu
  a = g * jax.lax.rsqrt(var + 1e-5)
  return a, be - mu * a


def _stats_body(sa_ref, sb_ref, hp_ref, dis_ref, b_ref, bat_ref,
                t_ref, s1_ref, s2_ref, pool_ref, cnt_ref):
  i = pl.program_id(0)
  conv = dis_ref[...] * (sa_ref[...] + sb_ref[...] + hp_ref[...]) + b_ref[...]
  t = jnp.tanh(conv)
  t_ref[...] = t

  @pl.when(i == 0)
  def _():
    s1_ref[...] = jnp.zeros_like(s1_ref)
    s2_ref[...] = jnp.zeros_like(s2_ref)
    pool_ref[...] = jnp.zeros_like(pool_ref)
    cnt_ref[...] = jnp.zeros_like(cnt_ref)

  oh = (jax.lax.broadcasted_iota(jnp.int32, (_G, _BN), 0)
        == bat_ref[0]).astype(_f32)
  pool_ref[...] += jnp.dot(oh, t, preferred_element_type=_f32)
  cnt_ref[...] += jnp.sum(oh, axis=1, keepdims=True)
  s1_ref[...] += jnp.sum(t, axis=0, keepdims=True)
  s2_ref[...] += jnp.sum(t * t, axis=0, keepdims=True)


def _stats1_body(sa_ref, sb_ref, hp_ref, dis_ref, b_ref, bat_ref,
                 s1_ref, s2_ref, pool_ref):
  i = pl.program_id(0)
  conv = dis_ref[...] * (sa_ref[...] + sb_ref[...] + hp_ref[...]) + b_ref[...]
  t = jnp.tanh(conv)

  @pl.when(i == 0)
  def _():
    s1_ref[...] = jnp.zeros_like(s1_ref)
    s2_ref[...] = jnp.zeros_like(s2_ref)
    pool_ref[...] = jnp.zeros_like(pool_ref)

  oh = (jax.lax.broadcasted_iota(jnp.int32, (_G, _BN), 0)
        == bat_ref[0]).astype(_f32)
  pool_ref[...] += jnp.dot(oh, t, preferred_element_type=_f32)
  s1_ref[...] += jnp.sum(t, axis=0, keepdims=True)
  s2_ref[...] += jnp.sum(t * t, axis=0, keepdims=True)


def _mm1_body(t_ref, s1_ref, s2_ref, dis_ref, w_ref, g_ref, be_ref, hp_ref):
  a, cc = _bn_affine(s1_ref[...], s2_ref[...], g_ref[...], be_ref[...])
  y = t_ref[...] * a + cc
  h = jnp.dot(y, w_ref[...], preferred_element_type=_f32)
  hp_ref[...] = h * dis_ref[...]


def _row_spec(i_map=None):
  return pl.BlockSpec((_BN, _D), i_map or (lambda i: (i, 0)))


def _full_spec(shape):
  return pl.BlockSpec(shape, lambda i: (0,) * len(shape))


def _mm0(x, w0, da, db):
  return pl.pallas_call(
      _mm0_body,
      grid=(_NBLK,),
      in_specs=[_row_spec(), _full_spec((_D, _D)),
                pl.BlockSpec((_BN, 1), lambda i: (i, 0)),
                pl.BlockSpec((_BN, 1), lambda i: (i, 0))],
      out_specs=[_row_spec(), pl.BlockSpec((_BN, 1), lambda i: (i, 0))],
      out_shape=[jax.ShapeDtypeStruct((_N, _D), _f32),
                 jax.ShapeDtypeStruct((_N, 1), _f32)],
  )(x, w0, da, db)


def _stats0(sa, sb, hp, dis, b, bat):
  return pl.pallas_call(
      _stats_body,
      grid=(_NBLK,),
      in_specs=[_row_spec(), _row_spec(), _row_spec(),
                pl.BlockSpec((_BN, 1), lambda i: (i, 0)),
                _full_spec((1, _D)),
                pl.BlockSpec((1, 1, _BN), lambda i: (i, 0, 0))],
      out_specs=[_row_spec(), _full_spec((1, _D)), _full_spec((1, _D)),
                 _full_spec((_G, _D)), _full_spec((_G, 1))],
      out_shape=[jax.ShapeDtypeStruct((_N, _D), _f32),
                 jax.ShapeDtypeStruct((1, _D), _f32),
                 jax.ShapeDtypeStruct((1, _D), _f32),
                 jax.ShapeDtypeStruct((_G, _D), _f32),
                 jax.ShapeDtypeStruct((_G, 1), _f32)],
  )(sa, sb, hp, dis, b, bat)


def _stats1(sa, sb, hp, dis, b, bat):
  return pl.pallas_call(
      _stats1_body,
      grid=(_NBLK,),
      in_specs=[_row_spec(), _row_spec(), _row_spec(),
                pl.BlockSpec((_BN, 1), lambda i: (i, 0)),
                _full_spec((1, _D)),
                pl.BlockSpec((1, 1, _BN), lambda i: (i, 0, 0))],
      out_specs=[_full_spec((1, _D)), _full_spec((1, _D)),
                 _full_spec((_G, _D))],
      out_shape=[jax.ShapeDtypeStruct((1, _D), _f32),
                 jax.ShapeDtypeStruct((1, _D), _f32),
                 jax.ShapeDtypeStruct((_G, _D), _f32)],
  )(sa, sb, hp, dis, b, bat)


def _fin_body(s1_ref, s2_ref, pool_ref, cnt_ref, g_ref, be_ref, p_ref):
  a, cc = _bn_affine(s1_ref[...], s2_ref[...], g_ref[...], be_ref[...])
  cnt = cnt_ref[...]
  p_ref[...] = (pool_ref[...] * a + cnt * cc) / jnp.maximum(cnt, 1.0)


def _finalize(s1, s2, pool, cnt, g, be):
  return pl.pallas_call(
      _fin_body,
      out_shape=jax.ShapeDtypeStruct((_G, _D), _f32),
  )(s1, s2, pool, cnt, g, be)


def _mm1(t, s1, s2, dis, w1, g, be):
  return pl.pallas_call(
      _mm1_body,
      grid=(_NBLK,),
      in_specs=[_row_spec(), _full_spec((1, _D)), _full_spec((1, _D)),
                pl.BlockSpec((_BN, 1), lambda i: (i, 0)),
                _full_spec((_D, _D)), _full_spec((1, _D)),
                _full_spec((1, _D))],
      out_specs=[_row_spec()],
      out_shape=[jax.ShapeDtypeStruct((_N, _D), _f32)],
  )(t, s1, s2, dis, w1, g, be)[0]



@jax.jit
def kernel(x, W0, b0, g0, be0, W1, b1, g1, be1, edge_index, batch):
  src = edge_index[0]
  dst = edge_index[1]
  pad = _PADROWS * 128 - _E
  src_p = jnp.concatenate(
      [src, jnp.zeros((pad,), jnp.int32)]).reshape(_PADROWS, 128)
  dst_p = jnp.concatenate(
      [dst, jnp.full((pad,), _N, jnp.int32)]).reshape(_PADROWS, 128)

  zdeg = jnp.zeros((_TSDEG,), _f32)
  ones128 = jnp.ones((128,), _f32)
  zrow = jnp.zeros((_TSLICE, _D), _f32)

  degs = _make_deg_kernel()(dst_p, zdeg, ones128)
  da = degs[:_N].reshape(_N, 1)
  db = degs[_NDEG:_NDEG + _N].reshape(_N, 1)

  b0r = b0.reshape(1, _D)
  g0r = g0.reshape(1, _D)
  be0r = be0.reshape(1, _D)
  b1r = b1.reshape(1, _D)
  g1r = g1.reshape(1, _D)
  be1r = be1.reshape(1, _D)
  bat = batch.reshape(_NBLK, 1, _BN)

  scat = _make_scat_kernel()

  hp0, dis = _mm0(x, W0, da, db)
  s0 = scat(hp0, src_p, dst_p, zrow)
  t0, s1_0, s2_0, pool0, cnt = _stats0(
      s0[0, :_N], s0[1, :_N], hp0, dis, b0r, bat)
  p0 = _finalize(s1_0, s2_0, pool0, cnt, g0r, be0r)

  hp1 = _mm1(t0, s1_0, s2_0, dis, W1, g0r, be0r)
  s1 = scat(hp1, src_p, dst_p, zrow)
  s1_1, s2_1, pool1 = _stats1(s1[0, :_N], s1[1, :_N], hp1, dis, b1r, bat)
  p1 = _finalize(s1_1, s2_1, pool1, cnt, g1r, be1r)

  return (p0, p1)

# --- scband reference (transcript-rebuilt; emitter-appended) ---
"""Pipeline reference for scband-gcn-encoder-33277406609923 (READ-ONLY COPY).

The authoritative reference and input builder live on the scoring server;
editing this copy changes nothing except your own understanding.
"""

import jax, jax.numpy as jnp
import numpy as np

N = 10000      # n_nodes
E = 320000     # n_edges
D = 128        # in feature dim (dim_G)
R = 128        # rank (hidden dim)
G = 256        # number of graphs in the batch


def setup_inputs(seed: int = 0) -> dict:
    key = jax.random.key(seed)
    ks = jax.random.split(key, 8)
    x = jax.random.normal(ks[0], (N, D), dtype=jnp.float32)
    edge_index = jax.random.randint(ks[1], (2, E), 0, N, dtype=jnp.int32)
    batch = jnp.sort(jax.random.randint(ks[2], (N,), 0, G, dtype=jnp.int32))
    W0 = jax.random.normal(ks[3], (D, R), dtype=jnp.float32) * (1.0 / np.sqrt(D))
    b0 = jnp.zeros((R,), dtype=jnp.float32)
    g0 = jnp.ones((R,), dtype=jnp.float32)
    be0 = jnp.zeros((R,), dtype=jnp.float32)
    W1 = jax.random.normal(ks[4], (R, R), dtype=jnp.float32) * (1.0 / np.sqrt(R))
    b1 = jnp.zeros((R,), dtype=jnp.float32)
    g1 = jnp.ones((R,), dtype=jnp.float32)
    be1 = jnp.zeros((R,), dtype=jnp.float32)
    return {"x": x, "W0": W0, "b0": b0, "g0": g0, "be0": be0,
            "W1": W1, "b1": b1, "g1": g1, "be1": be1,
            "edge_index": edge_index, "batch": batch}


def _gcn_conv(x, edge_index, W, b):
    # PyG GCNConv: add self loops, symmetric normalization, linear, scatter-add
    src = edge_index[0]
    dst = edge_index[1]
    loop = jnp.arange(N, dtype=src.dtype)
    src = jnp.concatenate([src, loop])
    dst = jnp.concatenate([dst, loop])
    h = x @ W
    deg = jnp.zeros((N,), h.dtype).at[dst].add(1.0)
    dis = jnp.where(deg > 0, 1.0 / jnp.sqrt(deg), 0.0)
    norm = dis[src] * dis[dst]
    msg = h[src] * norm[:, None]
    out = jnp.zeros((N, h.shape[1]), h.dtype).at[dst].add(msg)
    return out + b


def _bn(x, gamma, beta):
    # BatchNorm1d in training mode: batch statistics over the node dimension
    mu = jnp.mean(x, axis=0)
    var = jnp.var(x, axis=0)
    return (x - mu) / jnp.sqrt(var + 1e-5) * gamma + beta


def _mean_pool(x, batch):
    s = jax.ops.segment_sum(x, batch, num_segments=G)
    cnt = jax.ops.segment_sum(jnp.ones((x.shape[0],), x.dtype), batch, num_segments=G)
    return s / jnp.maximum(cnt, 1.0)[:, None]


def reference(x, W0, b0, g0, be0, W1, b1, g1, be1, edge_index, batch):
    # layer 0: BN(tanh(GCNConv(x))) then global_mean_pool (use_GMP=False)
    h = _bn(jnp.tanh(_gcn_conv(x, edge_index, W0, b0)), g0, be0)
    p0 = _mean_pool(h, batch)
    # layer 1
    h = _bn(jnp.tanh(_gcn_conv(h, edge_index, W1, b1)), g1, be1)
    p1 = _mean_pool(h, batch)
    return (p0, p1)

if __name__ == "__main__":
    import jax
    _d = setup_inputs()
    print(jax.jit(kernel)(*tuple(_d.values())))

</pallas_src>

<mosaic_0001>
#map = affine_map<(d0, d1) -> (0, 0)>
#map1 = affine_map<(d0, d1) -> (0, 0, 0)>
module attributes {stable_mosaic.version = 14 : i64} {
  func.func @_scat_body(%arg0: i32, %arg1: i32, %arg2: memref<10000x128xf32, #tpu.memory_space<hbm>>, %arg3: memref<2560x128xi32, #tpu.memory_space<hbm>>, %arg4: memref<2560x128xi32, #tpu.memory_space<hbm>>, %arg5: memref<632x128xf32, #tpu.memory_space<hbm>>, %arg6: memref<2x10112x128xf32, #tpu.memory_space<hbm>>, %arg7: memref<56x128xi32, #tpu.memory_space<vmem>>, %arg8: memref<56x128xi32, #tpu.memory_space<vmem>>, %arg9: memref<2x128x128xf32, #tpu.memory_space<vmem>>, %arg10: memref<10112x128xf32, #tpu.memory_space<vmem_shared>>, %arg11: memref<!tpu.dma_semaphore, #tpu.memory_space<semaphore_mem>>) attributes {dimension_semantics = [#tpu.dimension_semantics<core_parallel>, #tpu.dimension_semantics<subcore_parallel>], iteration_bounds = array<i64: 2, 16>, scalar_prefetch = 0 : i64, scratch_operands = 5 : i64, tpu.core_type = #tpu.core_type<sc_vector_subcore>, window_params = [{transform_indices = #map}, {transform_indices = #map}, {transform_indices = #map}, {transform_indices = #map}, {transform_indices = #map1}]} {
    %mul3A = arith.constant 632 : i32
    %mul3A_0 = arith.muli %arg1, %mul3A : i32
    %eq3A = arith.constant 0 : i32
    %eq3A_1 = arith.cmpi eq, %arg0, %eq3A : i32
    %jit3A = arith.constant 56 : i32
    %jit3A_2 = arith.constant 24 : i32
    %select_n3A = arith.select %eq3A_1, %jit3A, %jit3A_2 : i32
    %mul3A_3 = arith.constant 160 : i32
    %mul3A_4 = arith.muli %arg1, %mul3A_3 : i32
    %mul3A_5 = arith.constant 112 : i32
    %mul3A_6 = arith.muli %arg0, %mul3A_5 : i32
    %add3A = arith.addi %mul3A_4, %mul3A_6 : i32
    "tpu.region"() ({
      %run_scoped3A = tpu.sem_alloc : memref<!tpu.dma_semaphore, #tpu.memory_space<semaphore_mem>>
      %dma_start3A_41 = arith.constant 0 : i32
      %dma_start3A_42 = tpu.memref_slice %arg3[%add3A, %dma_start3A_41] : memref<2560x128xi32, #tpu.memory_space<hbm>> -> memref<56x128xi32, #tpu.memory_space<hbm>>
      %dma_start3A_43 = arith.constant 0 : i32
      %dma_start3A_44 = tpu.memref_slice %arg3[%add3A, %dma_start3A_43] : memref<2560x128xi32, #tpu.memory_space<hbm>> -> memref<56x128xi32, #tpu.memory_space<hbm>>
      tpu.enqueue_dma source(%dma_start3A_44 : memref<56x128xi32, #tpu.memory_space<hbm>>) target(%arg7 : memref<56x128xi32, #tpu.memory_space<vmem>>) target_semaphore(%run_scoped3A : memref<!tpu.dma_semaphore, #tpu.memory_space<semaphore_mem>>)
      %dma_wait3A = arith.constant 0 : i32
      %dma_wait3A_45 = tpu.memref_slice %arg3[%add3A, %dma_wait3A] : memref<2560x128xi32, #tpu.memory_space<hbm>> -> memref<56x128xi32, #tpu.memory_space<hbm>>
      %dma_wait3A_46 = arith.constant 0 : i32
      %dma_wait3A_47 = tpu.memref_slice %arg3[%add3A, %dma_wait3A_46] : memref<2560x128xi32, #tpu.memory_space<hbm>> -> memref<56x128xi32, #tpu.memory_space<hbm>>
      tpu.wait_dma2 semaphore(%run_scoped3A : memref<!tpu.dma_semaphore, #tpu.memory_space<semaphore_mem>>) src(%dma_wait3A_47 : memref<56x128xi32, #tpu.memory_space<hbm>>) dst(%arg7 : memref<56x128xi32, #tpu.memory_space<vmem>>)
      tpu.yield
    }) : () -> ()
    "tpu.region"() ({
      %run_scoped3A = tpu.sem_alloc : memref<!tpu.dma_semaphore, #tpu.memory_space<semaphore_mem>>
      %dma_start3A_41 = arith.constant 0 : i32
      %dma_start3A_42 = tpu.memref_slice %arg4[%add3A, %dma_start3A_41] : memref<2560x128xi32, #tpu.memory_space<hbm>> -> memref<56x128xi32, #tpu.memory_space<hbm>>
      %dma_start3A_43 = arith.constant 0 : i32
      %dma_start3A_44 = tpu.memref_slice %arg4[%add3A, %dma_start3A_43] : memref<2560x128xi32, #tpu.memory_space<hbm>> -> memref<56x128xi32, #tpu.memory_space<hbm>>
      tpu.enqueue_dma source(%dma_start3A_44 : memref<56x128xi32, #tpu.memory_space<hbm>>) target(%arg8 : memref<56x128xi32, #tpu.memory_space<vmem>>) target_semaphore(%run_scoped3A : memref<!tpu.dma_semaphore, #tpu.memory_space<semaphore_mem>>)
      %dma_wait3A = arith.constant 0 : i32
      %dma_wait3A_45 = tpu.memref_slice %arg4[%add3A, %dma_wait3A] : memref<2560x128xi32, #tpu.memory_space<hbm>> -> memref<56x128xi32, #tpu.memory_space<hbm>>
      %dma_wait3A_46 = arith.constant 0 : i32
      %dma_wait3A_47 = tpu.memref_slice %arg4[%add3A, %dma_wait3A_46] : memref<2560x128xi32, #tpu.memory_space<hbm>> -> memref<56x128xi32, #tpu.memory_space<hbm>>
      tpu.wait_dma2 semaphore(%run_scoped3A : memref<!tpu.dma_semaphore, #tpu.memory_space<semaphore_mem>>) src(%dma_wait3A_47 : memref<56x128xi32, #tpu.memory_space<hbm>>) dst(%arg8 : memref<56x128xi32, #tpu.memory_space<vmem>>)
      tpu.yield
    }) : () -> ()
    %dma_start3A = arith.constant 0 : i32
    %dma_start3A_7 = arith.constant 0 : i32
    %dma_start3A_8 = arith.constant 0 : i32
    %dma_start3A_9 = arith.constant 0 : i32
    %dma_start3A_10 = tpu.memref_slice %arg9[%dma_start3A_7, %dma_start3A_8, %dma_start3A_9] : memref<2x128x128xf32, #tpu.memory_space<vmem>> -> memref<1x128x128xf32, #tpu.memory_space<vmem>>
    %dma_start3A_11 = tpu.memref_squeeze %dma_start3A_10 : memref<1x128x128xf32, #tpu.memory_space<vmem>> -> memref<128x128xf32, #tpu.memory_space<vmem>>
    %dma_start3A_12 = arith.constant 0 : i32
    %dma_start3A_13 = tpu.memref_slice %arg7[%dma_start3A, %dma_start3A_12] : memref<56x128xi32, #tpu.memory_space<vmem>> -> memref<1x128xi32, #tpu.memory_space<vmem>>
    %dma_start3A_14 = tpu.memref_squeeze %dma_start3A_13 : memref<1x128xi32, #tpu.memory_space<vmem>> -> memref<128xi32, #tpu.memory_space<vmem>>
    %dma_start3A_15 = arith.constant 0 : i32
    %dma_start3A_16 = arith.constant 0 : i32
    %dma_start3A_17 = tpu.memref_slice %arg2[%dma_start3A_15, %dma_start3A_16] : memref<10000x128xf32, #tpu.memory_space<hbm>> -> memref<10000x128xf32, #tpu.memory_space<hbm>>
    tpu.enqueue_indirect_dma source(%dma_start3A_17 : memref<10000x128xf32, #tpu.memory_space<hbm>>) target(%dma_start3A_11 : memref<128x128xf32, #tpu.memory_space<vmem>>) offsets(%dma_start3A_14 : memref<128xi32, #tpu.memory_space<vmem>>) semaphore(%arg11 : memref<!tpu.dma_semaphore, #tpu.memory_space<semaphore_mem>>)
    "tpu.region"() ({
      %run_scoped3A = tpu.sem_alloc : memref<!tpu.dma_semaphore, #tpu.memory_space<semaphore_mem>>
      %dma_start3A_41 = arith.constant 0 : i32
      %dma_start3A_42 = tpu.memref_slice %arg10[%mul3A_0, %dma_start3A_41] : memref<10112x128xf32, #tpu.memory_space<vmem_shared>> -> memref<632x128xf32, #tpu.memory_space<vmem_shared>>
      tpu.enqueue_dma source(%arg5 : memref<632x128xf32, #tpu.memory_space<hbm>>) target(%dma_start3A_42 : memref<632x128xf32, #tpu.memory_space<vmem_shared>>) target_semaphore(%run_scoped3A : memref<!tpu.dma_semaphore, #tpu.memory_space<semaphore_mem>>)
      %dma_wait3A = arith.constant 0 : i32
      %dma_wait3A_43 = tpu.memref_slice %arg10[%mul3A_0, %dma_wait3A] : memref<10112x128xf32, #tpu.memory_space<vmem_shared>> -> memref<632x128xf32, #tpu.memory_space<vmem_shared>>
      tpu.wait_dma2 semaphore(%run_scoped3A : memref<!tpu.dma_semaphore, #tpu.memory_space<semaphore_mem>>) src(%arg5 : memref<632x128xf32, #tpu.memory_space<hbm>>) dst(%dma_wait3A_43 : memref<632x128xf32, #tpu.memory_space<vmem_shared>>)
      tpu.yield
    }) : () -> ()
    %barrier3A = arith.constant 0 : index
    tpu.barrier barrier_id(%barrier3A)
    %scan3A = arith.constant 0 : i32
    %scan3A_18 = arith.constant 56 : i32
    %scan3A_19 = arith.addi %scan3A, %scan3A_18 : i32
    %scan3A_20 = arith.constant 1 : i32
    scf.for %scan3A_41 = %scan3A to %scan3A_19 step %scan3A_20  : i32 {
      %mul3A_42 = arith.constant 1 : i32
      %mul3A_43 = arith.muli %scan3A_41, %mul3A_42 : i32
      %add3A_44 = arith.constant 0 : i32
      %add3A_45 = arith.addi %add3A_44, %mul3A_43 : i32
      %rem3A = arith.constant 2 : i32
      %rem3A_46 = arith.remsi %add3A_45, %rem3A : i32
      %lt3A = arith.cmpi slt, %add3A_45, %select_n3A : i32
      %convert_element_type3A = arith.extui %lt3A : i1 to i32
      %cond3A = arith.constant 0 : i32
      %cond3A_47 = arith.cmpi ne, %convert_element_type3A, %cond3A : i32
      scf.if %cond3A_47 {
        %dma_wait3A = arith.constant 0 : i32
        %dma_wait3A_58 = arith.constant 0 : i32
        %dma_wait3A_59 = tpu.memref_slice %arg9[%rem3A_46, %dma_wait3A, %dma_wait3A_58] : memref<2x128x128xf32, #tpu.memory_space<vmem>> -> memref<1x128x128xf32, #tpu.memory_space<vmem>>
        %dma_wait3A_60 = tpu.memref_squeeze %dma_wait3A_59 : memref<1x128x128xf32, #tpu.memory_space<vmem>> -> memref<128x128xf32, #tpu.memory_space<vmem>>
        %dma_wait3A_61 = arith.constant 0 : i32
        %dma_wait3A_62 = tpu.memref_slice %arg7[%add3A_45, %dma_wait3A_61] : memref<56x128xi32, #tpu.memory_space<vmem>> -> memref<1x128xi32, #tpu.memory_space<vmem>>
        %dma_wait3A_63 = tpu.memref_squeeze %dma_wait3A_62 : memref<1x128xi32, #tpu.memory_space<vmem>> -> memref<128xi32, #tpu.memory_space<vmem>>
        %dma_wait3A_64 = arith.constant 0 : i32
        %dma_wait3A_65 = arith.constant 0 : i32
        %dma_wait3A_66 = tpu.memref_slice %arg2[%dma_wait3A_64, %dma_wait3A_65] : memref<10000x128xf32, #tpu.memory_space<hbm>> -> memref<10000x128xf32, #tpu.memory_space<hbm>>
        tpu.wait_indirect_dma semaphore(%arg11 : memref<!tpu.dma_semaphore, #tpu.memory_space<semaphore_mem>>) src(%dma_wait3A_66 : memref<10000x128xf32, #tpu.memory_space<hbm>>) dst(%dma_wait3A_60 : memref<128x128xf32, #tpu.memory_space<vmem>>)
      } else {
      }
      %add3A_48 = arith.constant 1 : i32
      %add3A_49 = arith.addi %add3A_45, %add3A_48 : i32
      %lt3A_50 = arith.cmpi slt, %add3A_49, %select_n3A : i32
      %convert_element_type3A_51 = arith.extui %lt3A_50 : i1 to i32
      %cond3A_52 = arith.constant 0 : i32
      %cond3A_53 = arith.cmpi ne, %convert_element_type3A_51, %cond3A_52 : i32
      scf.if %cond3A_53 {
        %add3A_58 = arith.constant 1 : i32
        %add3A_59 = arith.addi %add3A_45, %add3A_58 : i32
        %sub3A = arith.constant 1 : i32
        %sub3A_60 = arith.subi %sub3A, %rem3A_46 : i32
        %dma_start3A_61 = arith.constant 0 : i32
        %dma_start3A_62 = arith.constant 0 : i32
        %dma_start3A_63 = tpu.memref_slice %arg9[%sub3A_60, %dma_start3A_61, %dma_start3A_62] : memref<2x128x128xf32, #tpu.memory_space<vmem>> -> memref<1x128x128xf32, #tpu.memory_space<vmem>>
        %dma_start3A_64 = tpu.memref_squeeze %dma_start3A_63 : memref<1x128x128xf32, #tpu.memory_space<vmem>> -> memref<128x128xf32, #tpu.memory_space<vmem>>
        %dma_start3A_65 = arith.constant 0 : i32
        %dma_start3A_66 = tpu.memref_slice %arg7[%add3A_59, %dma_start3A_65] : memref<56x128xi32, #tpu.memory_space<vmem>> -> memref<1x128xi32, #tpu.memory_space<vmem>>
        %dma_start3A_67 = tpu.memref_squeeze %dma_start3A_66 : memref<1x128xi32, #tpu.memory_space<vmem>> -> memref<128xi32, #tpu.memory_space<vmem>>
        %dma_start3A_68 = arith.constant 0 : i32
        %dma_start3A_69 = arith.constant 0 : i32
        %dma_start3A_70 = tpu.memref_slice %arg2[%dma_start3A_68, %dma_start3A_69] : memref<10000x128xf32, #tpu.memory_space<hbm>> -> memref<10000x128xf32, #tpu.memory_space<hbm>>
        tpu.enqueue_indirect_dma source(%dma_start3A_70 : memref<10000x128xf32, #tpu.memory_space<hbm>>) target(%dma_start3A_64 : memref<128x128xf32, #tpu.memory_space<vmem>>) offsets(%dma_start3A_67 : memref<128xi32, #tpu.memory_space<vmem>>) semaphore(%arg11 : memref<!tpu.dma_semaphore, #tpu.memory_space<semaphore_mem>>)
      } else {
      }
      %lt3A_54 = arith.cmpi slt, %add3A_45, %select_n3A : i32
      %convert_element_type3A_55 = arith.extui %lt3A_54 : i1 to i32
      %cond3A_56 = arith.constant 0 : i32
      %cond3A_57 = arith.cmpi ne, %convert_element_type3A_55, %cond3A_56 : i32
      scf.if %cond3A_57 {
        "tpu.region"() ({
          %run_scoped3A = tpu.sem_alloc : memref<!tpu.dma_semaphore, #tpu.memory_space<semaphore_mem>>
          %dma_start3A_58 = arith.constant 0 : i32
          %dma_start3A_59 = arith.constant 0 : i32
          %dma_start3A_60 = tpu.memref_slice %arg9[%rem3A_46, %dma_start3A_58, %dma_start3A_59] : memref<2x128x128xf32, #tpu.memory_space<vmem>> -> memref<1x128x128xf32, #tpu.memory_space<vmem>>
          %dma_start3A_61 = tpu.memref_squeeze %dma_start3A_60 : memref<1x128x128xf32, #tpu.memory_space<vmem>> -> memref<128x128xf32, #tpu.memory_space<vmem>>
          %dma_start3A_62 = arith.constant 0 : i32
          %dma_start3A_63 = tpu.memref_slice %arg8[%add3A_45, %dma_start3A_62] : memref<56x128xi32, #tpu.memory_space<vmem>> -> memref<1x128xi32, #tpu.memory_space<vmem>>
          %dma_start3A_64 = tpu.memref_squeeze %dma_start3A_63 : memref<1x128xi32, #tpu.memory_space<vmem>> -> memref<128xi32, #tpu.memory_space<vmem>>
          %dma_start3A_65 = arith.constant 0 : i32
          %dma_start3A_66 = arith.constant 0 : i32
          %dma_start3A_67 = tpu.memref_slice %arg10[%dma_start3A_65, %dma_start3A_66] : memref<10112x128xf32, #tpu.memory_space<vmem_shared>> -> memref<10112x128xf32, #tpu.memory_space<vmem_shared>>
          tpu.enqueue_indirect_dma source(%dma_start3A_61 : memref<128x128xf32, #tpu.memory_space<vmem>>) target(%dma_start3A_67 : memref<10112x128xf32, #tpu.memory_space<vmem_shared>>) offsets(%dma_start3A_64 : memref<128xi32, #tpu.memory_space<vmem>>) semaphore(%run_scoped3A : memref<!tpu.dma_semaphore, #tpu.memory_space<semaphore_mem>>) {add = true}
          %dma_wait3A = arith.constant 0 : i32
          %dma_wait3A_68 = arith.constant 0 : i32
          %dma_wait3A_69 = tpu.memref_slice %arg9[%rem3A_46, %dma_wait3A, %dma_wait3A_68] : memref<2x128x128xf32, #tpu.memory_space<vmem>> -> memref<1x128x128xf32, #tpu.memory_space<vmem>>
          %dma_wait3A_70 = tpu.memref_squeeze %dma_wait3A_69 : memref<1x128x128xf32, #tpu.memory_space<vmem>> -> memref<128x128xf32, #tpu.memory_space<vmem>>
          %dma_wait3A_71 = arith.constant 0 : i32
          %dma_wait3A_72 = tpu.memref_slice %arg8[%add3A_45, %dma_wait3A_71] : memref<56x128xi32, #tpu.memory_space<vmem>> -> memref<1x128xi32, #tpu.memory_space<vmem>>
          %dma_wait3A_73 = tpu.memref_squeeze %dma_wait3A_72 : memref<1x128xi32, #tpu.memory_space<vmem>> -> memref<128xi32, #tpu.memory_space<vmem>>
          %dma_wait3A_74 = arith.constant 0 : i32
          %dma_wait3A_75 = arith.constant 0 : i32
          %dma_wait3A_76 = tpu.memref_slice %arg10[%dma_wait3A_74, %dma_wait3A_75] : memref<10112x128xf32, #tpu.memory_space<vmem_shared>> -> memref<10112x128xf32, #tpu.memory_space<vmem_shared>>
          tpu.wait_indirect_dma semaphore(%run_scoped3A : memref<!tpu.dma_semaphore, #tpu.memory_space<semaphore_mem>>) src(%dma_wait3A_70 : memref<128x128xf32, #tpu.memory_space<vmem>>) dst(%dma_wait3A_76 : memref<10112x128xf32, #tpu.memory_space<vmem_shared>>)
          tpu.yield
        }) : () -> ()
      } else {
      }
    }
    %scan3A_21 = arith.constant 56 : i32
    %add3A_22 = arith.addi %add3A, %select_n3A : i32
    "tpu.region"() ({
      %run_scoped3A = tpu.sem_alloc : memref<!tpu.dma_semaphore, #tpu.memory_space<semaphore_mem>>
      %dma_start3A_41 = arith.constant 0 : i32
      %dma_start3A_42 = tpu.memref_slice %arg3[%add3A_22, %dma_start3A_41] : memref<2560x128xi32, #tpu.memory_space<hbm>> -> memref<56x128xi32, #tpu.memory_space<hbm>>
      %dma_start3A_43 = arith.constant 0 : i32
      %dma_start3A_44 = tpu.memref_slice %arg3[%add3A_22, %dma_start3A_43] : memref<2560x128xi32, #tpu.memory_space<hbm>> -> memref<56x128xi32, #tpu.memory_space<hbm>>
      tpu.enqueue_dma source(%dma_start3A_44 : memref<56x128xi32, #tpu.memory_space<hbm>>) target(%arg7 : memref<56x128xi32, #tpu.memory_space<vmem>>) target_semaphore(%run_scoped3A : memref<!tpu.dma_semaphore, #tpu.memory_space<semaphore_mem>>)
      %dma_wait3A = arith.constant 0 : i32
      %dma_wait3A_45 = tpu.memref_slice %arg3[%add3A_22, %dma_wait3A] : memref<2560x128xi32, #tpu.memory_space<hbm>> -> memref<56x128xi32, #tpu.memory_space<hbm>>
      %dma_wait3A_46 = arith.constant 0 : i32
      %dma_wait3A_47 = tpu.memref_slice %arg3[%add3A_22, %dma_wait3A_46] : memref<2560x128xi32, #tpu.memory_space<hbm>> -> memref<56x128xi32, #tpu.memory_space<hbm>>
      tpu.wait_dma2 semaphore(%run_scoped3A : memref<!tpu.dma_semaphore, #tpu.memory_space<semaphore_mem>>) src(%dma_wait3A_47 : memref<56x128xi32, #tpu.memory_space<hbm>>) dst(%arg7 : memref<56x128xi32, #tpu.memory_space<vmem>>)
      tpu.yield
    }) : () -> ()
    "tpu.region"() ({
      %run_scoped3A = tpu.sem_alloc : memref<!tpu.dma_semaphore, #tpu.memory_space<semaphore_mem>>
      %dma_start3A_41 = arith.constant 0 : i32
      %dma_start3A_42 = tpu.memref_slice %arg4[%add3A_22, %dma_start3A_41] : memref<2560x128xi32, #tpu.memory_space<hbm>> -> memref<56x128xi32, #tpu.memory_space<hbm>>
      %dma_start3A_43 = arith.constant 0 : i32
      %dma_start3A_44 = tpu.memref_slice %arg4[%add3A_22, %dma_start3A_43] : memref<2560x128xi32, #tpu.memory_space<hbm>> -> memref<56x128xi32, #tpu.memory_space<hbm>>
      tpu.enqueue_dma source(%dma_start3A_44 : memref<56x128xi32, #tpu.memory_space<hbm>>) target(%arg8 : memref<56x128xi32, #tpu.memory_space<vmem>>) target_semaphore(%run_scoped3A : memref<!tpu.dma_semaphore, #tpu.memory_space<semaphore_mem>>)
      %dma_wait3A = arith.constant 0 : i32
      %dma_wait3A_45 = tpu.memref_slice %arg4[%add3A_22, %dma_wait3A] : memref<2560x128xi32, #tpu.memory_space<hbm>> -> memref<56x128xi32, #tpu.memory_space<hbm>>
      %dma_wait3A_46 = arith.constant 0 : i32
      %dma_wait3A_47 = tpu.memref_slice %arg4[%add3A_22, %dma_wait3A_46] : memref<2560x128xi32, #tpu.memory_space<hbm>> -> memref<56x128xi32, #tpu.memory_space<hbm>>
      tpu.wait_dma2 semaphore(%run_scoped3A : memref<!tpu.dma_semaphore, #tpu.memory_space<semaphore_mem>>) src(%dma_wait3A_47 : memref<56x128xi32, #tpu.memory_space<hbm>>) dst(%arg8 : memref<56x128xi32, #tpu.memory_space<vmem>>)
      tpu.yield
    }) : () -> ()
    %dma_start3A_23 = arith.constant 0 : i32
    %dma_start3A_24 = arith.constant 0 : i32
    %dma_start3A_25 = arith.constant 0 : i32
    %dma_start3A_26 = arith.constant 0 : i32
    %dma_start3A_27 = tpu.memref_slice %arg9[%dma_start3A_24, %dma_start3A_25, %dma_start3A_26] : memref<2x128x128xf32, #tpu.memory_space<vmem>> -> memref<1x128x128xf32, #tpu.memory_space<vmem>>
    %dma_start3A_28 = tpu.memref_squeeze %dma_start3A_27 : memref<1x128x128xf32, #tpu.memory_space<vmem>> -> memref<128x128xf32, #tpu.memory_space<vmem>>
    %dma_start3A_29 = arith.constant 0 : i32
    %dma_start3A_30 = tpu.memref_slice %arg7[%dma_start3A_23, %dma_start3A_29] : memref<56x128xi32, #tpu.memory_space<vmem>> -> memref<1x128xi32, #tpu.memory_space<vmem>>
    %dma_start3A_31 = tpu.memref_squeeze %dma_start3A_30 : memref<1x128xi32, #tpu.memory_space<vmem>> -> memref<128xi32, #tpu.memory_space<vmem>>
    %dma_start3A_32 = arith.constant 0 : i32
    %dma_start3A_33 = arith.constant 0 : i32
    %dma_start3A_34 = tpu.memref_slice %arg2[%dma_start3A_32, %dma_start3A_33] : memref<10000x128xf32, #tpu.memory_space<hbm>> -> memref<10000x128xf32, #tpu.memory_space<hbm>>
    tpu.enqueue_indirect_dma source(%dma_start3A_34 : memref<10000x128xf32, #tpu.memory_space<hbm>>) target(%dma_start3A_28 : memref<128x128xf32, #tpu.memory_space<vmem>>) offsets(%dma_start3A_31 : memref<128xi32, #tpu.memory_space<vmem>>) semaphore(%arg11 : memref<!tpu.dma_semaphore, #tpu.memory_space<semaphore_mem>>)
    %scan3A_35 = arith.constant 0 : i32
    %scan3A_36 = arith.constant 56 : i32
    %scan3A_37 = arith.addi %scan3A_35, %scan3A_36 : i32
    %scan3A_38 = arith.constant 1 : i32
    scf.for %scan3A_41 = %scan3A_35 to %scan3A_37 step %scan3A_38  : i32 {
      %mul3A_42 = arith.constant 1 : i32
      %mul3A_43 = arith.muli %scan3A_41, %mul3A_42 : i32
      %add3A_44 = arith.constant 0 : i32
      %add3A_45 = arith.addi %add3A_44, %mul3A_43 : i32
      %rem3A = arith.constant 2 : i32
      %rem3A_46 = arith.remsi %add3A_45, %rem3A : i32
      %lt3A = arith.cmpi slt, %add3A_45, %select_n3A : i32
      %convert_element_type3A = arith.extui %lt3A : i1 to i32
      %cond3A = arith.constant 0 : i32
      %cond3A_47 = arith.cmpi ne, %convert_element_type3A, %cond3A : i32
      scf.if %cond3A_47 {
        %dma_wait3A = arith.constant 0 : i32
        %dma_wait3A_58 = arith.constant 0 : i32
        %dma_wait3A_59 = tpu.memref_slice %arg9[%rem3A_46, %dma_wait3A, %dma_wait3A_58] : memref<2x128x128xf32, #tpu.memory_space<vmem>> -> memref<1x128x128xf32, #tpu.memory_space<vmem>>
        %dma_wait3A_60 = tpu.memref_squeeze %dma_wait3A_59 : memref<1x128x128xf32, #tpu.memory_space<vmem>> -> memref<128x128xf32, #tpu.memory_space<vmem>>
        %dma_wait3A_61 = arith.constant 0 : i32
        %dma_wait3A_62 = tpu.memref_slice %arg7[%add3A_45, %dma_wait3A_61] : memref<56x128xi32, #tpu.memory_space<vmem>> -> memref<1x128xi32, #tpu.memory_space<vmem>>
        %dma_wait3A_63 = tpu.memref_squeeze %dma_wait3A_62 : memref<1x128xi32, #tpu.memory_space<vmem>> -> memref<128xi32, #tpu.memory_space<vmem>>
        %dma_wait3A_64 = arith.constant 0 : i32
        %dma_wait3A_65 = arith.constant 0 : i32
        %dma_wait3A_66 = tpu.memref_slice %arg2[%dma_wait3A_64, %dma_wait3A_65] : memref<10000x128xf32, #tpu.memory_space<hbm>> -> memref<10000x128xf32, #tpu.memory_space<hbm>>
        tpu.wait_indirect_dma semaphore(%arg11 : memref<!tpu.dma_semaphore, #tpu.memory_space<semaphore_mem>>) src(%dma_wait3A_66 : memref<10000x128xf32, #tpu.memory_space<hbm>>) dst(%dma_wait3A_60 : memref<128x128xf32, #tpu.memory_space<vmem>>)
      } else {
      }
      %add3A_48 = arith.constant 1 : i32
      %add3A_49 = arith.addi %add3A_45, %add3A_48 : i32
      %lt3A_50 = arith.cmpi slt, %add3A_49, %select_n3A : i32
      %convert_element_type3A_51 = arith.extui %lt3A_50 : i1 to i32
      %cond3A_52 = arith.constant 0 : i32
      %cond3A_53 = arith.cmpi ne, %convert_element_type3A_51, %cond3A_52 : i32
      scf.if %cond3A_53 {
        %add3A_58 = arith.constant 1 : i32
        %add3A_59 = arith.addi %add3A_45, %add3A_58 : i32
        %sub3A = arith.constant 1 : i32
        %sub3A_60 = arith.subi %sub3A, %rem3A_46 : i32
        %dma_start3A_61 = arith.constant 0 : i32
        %dma_start3A_62 = arith.constant 0 : i32
        %dma_start3A_63 = tpu.memref_slice %arg9[%sub3A_60, %dma_start3A_61, %dma_start3A_62] : memref<2x128x128xf32, #tpu.memory_space<vmem>> -> memref<1x128x128xf32, #tpu.memory_space<vmem>>
        %dma_start3A_64 = tpu.memref_squeeze %dma_start3A_63 : memref<1x128x128xf32, #tpu.memory_space<vmem>> -> memref<128x128xf32, #tpu.memory_space<vmem>>
        %dma_start3A_65 = arith.constant 0 : i32
        %dma_start3A_66 = tpu.memref_slice %arg7[%add3A_59, %dma_start3A_65] : memref<56x128xi32, #tpu.memory_space<vmem>> -> memref<1x128xi32, #tpu.memory_space<vmem>>
        %dma_start3A_67 = tpu.memref_squeeze %dma_start3A_66 : memref<1x128xi32, #tpu.memory_space<vmem>> -> memref<128xi32, #tpu.memory_space<vmem>>
        %dma_start3A_68 = arith.constant 0 : i32
        %dma_start3A_69 = arith.constant 0 : i32
        %dma_start3A_70 = tpu.memref_slice %arg2[%dma_start3A_68, %dma_start3A_69] : memref<10000x128xf32, #tpu.memory_space<hbm>> -> memref<10000x128xf32, #tpu.memory_space<hbm>>
        tpu.enqueue_indirect_dma source(%dma_start3A_70 : memref<10000x128xf32, #tpu.memory_space<hbm>>) target(%dma_start3A_64 : memref<128x128xf32, #tpu.memory_space<vmem>>) offsets(%dma_start3A_67 : memref<128xi32, #tpu.memory_space<vmem>>) semaphore(%arg11 : memref<!tpu.dma_semaphore, #tpu.memory_space<semaphore_mem>>)
      } else {
      }
      %lt3A_54 = arith.cmpi slt, %add3A_45, %select_n3A : i32
      %convert_element_type3A_55 = arith.extui %lt3A_54 : i1 to i32
      %cond3A_56 = arith.constant 0 : i32
      %cond3A_57 = arith.cmpi ne, %convert_element_type3A_55, %cond3A_56 : i32
      scf.if %cond3A_57 {
        "tpu.region"() ({
          %run_scoped3A = tpu.sem_alloc : memref<!tpu.dma_semaphore, #tpu.memory_space<semaphore_mem>>
          %dma_start3A_58 = arith.constant 0 : i32
          %dma_start3A_59 = arith.constant 0 : i32
          %dma_start3A_60 = tpu.memref_slice %arg9[%rem3A_46, %dma_start3A_58, %dma_start3A_59] : memref<2x128x128xf32, #tpu.memory_space<vmem>> -> memref<1x128x128xf32, #tpu.memory_space<vmem>>
          %dma_start3A_61 = tpu.memref_squeeze %dma_start3A_60 : memref<1x128x128xf32, #tpu.memory_space<vmem>> -> memref<128x128xf32, #tpu.memory_space<vmem>>
          %dma_start3A_62 = arith.constant 0 : i32
          %dma_start3A_63 = tpu.memref_slice %arg8[%add3A_45, %dma_start3A_62] : memref<56x128xi32, #tpu.memory_space<vmem>> -> memref<1x128xi32, #tpu.memory_space<vmem>>
          %dma_start3A_64 = tpu.memref_squeeze %dma_start3A_63 : memref<1x128xi32, #tpu.memory_space<vmem>> -> memref<128xi32, #tpu.memory_space<vmem>>
          %dma_start3A_65 = arith.constant 0 : i32
          %dma_start3A_66 = arith.constant 0 : i32
          %dma_start3A_67 = tpu.memref_slice %arg10[%dma_start3A_65, %dma_start3A_66] : memref<10112x128xf32, #tpu.memory_space<vmem_shared>> -> memref<10112x128xf32, #tpu.memory_space<vmem_shared>>
          tpu.enqueue_indirect_dma source(%dma_start3A_61 : memref<128x128xf32, #tpu.memory_space<vmem>>) target(%dma_start3A_67 : memref<10112x128xf32, #tpu.memory_space<vmem_shared>>) offsets(%dma_start3A_64 : memref<128xi32, #tpu.memory_space<vmem>>) semaphore(%run_scoped3A : memref<!tpu.dma_semaphore, #tpu.memory_space<semaphore_mem>>) {add = true}
          %dma_wait3A = arith.constant 0 : i32
          %dma_wait3A_68 = arith.constant 0 : i32
          %dma_wait3A_69 = tpu.memref_slice %arg9[%rem3A_46, %dma_wait3A, %dma_wait3A_68] : memref<2x128x128xf32, #tpu.memory_space<vmem>> -> memref<1x128x128xf32, #tpu.memory_space<vmem>>
          %dma_wait3A_70 = tpu.memref_squeeze %dma_wait3A_69 : memref<1x128x128xf32, #tpu.memory_space<vmem>> -> memref<128x128xf32, #tpu.memory_space<vmem>>
          %dma_wait3A_71 = arith.constant 0 : i32
          %dma_wait3A_72 = tpu.memref_slice %arg8[%add3A_45, %dma_wait3A_71] : memref<56x128xi32, #tpu.memory_space<vmem>> -> memref<1x128xi32, #tpu.memory_space<vmem>>
          %dma_wait3A_73 = tpu.memref_squeeze %dma_wait3A_72 : memref<1x128xi32, #tpu.memory_space<vmem>> -> memref<128xi32, #tpu.memory_space<vmem>>
          %dma_wait3A_74 = arith.constant 0 : i32
          %dma_wait3A_75 = arith.constant 0 : i32
          %dma_wait3A_76 = tpu.memref_slice %arg10[%dma_wait3A_74, %dma_wait3A_75] : memref<10112x128xf32, #tpu.memory_space<vmem_shared>> -> memref<10112x128xf32, #tpu.memory_space<vmem_shared>>
          tpu.wait_indirect_dma semaphore(%run_scoped3A : memref<!tpu.dma_semaphore, #tpu.memory_space<semaphore_mem>>) src(%dma_wait3A_70 : memref<128x128xf32, #tpu.memory_space<vmem>>) dst(%dma_wait3A_76 : memref<10112x128xf32, #tpu.memory_space<vmem_shared>>)
          tpu.yield
        }) : () -> ()
      } else {
      }
    }
    %scan3A_39 = arith.constant 56 : i32
    %barrier3A_40 = arith.constant 0 : index
    tpu.barrier barrier_id(%barrier3A_40)
    "tpu.region"() ({
      %run_scoped3A = tpu.sem_alloc : memref<!tpu.dma_semaphore, #tpu.memory_space<semaphore_mem>>
      %dma_start3A_41 = arith.constant 0 : i32
      %dma_start3A_42 = tpu.memref_slice %arg6[%arg0, %mul3A_0, %dma_start3A_41] : memref<2x10112x128xf32, #tpu.memory_space<hbm>> -> memref<1x632x128xf32, #tpu.memory_space<hbm>>
      %dma_start3A_43 = tpu.memref_squeeze %dma_start3A_42 : memref<1x632x128xf32, #tpu.memory_space<hbm>> -> memref<632x128xf32, #tpu.memory_space<hbm>>
      %dma_start3A_44 = arith.constant 0 : i32
      %dma_start3A_45 = tpu.memref_slice %arg10[%mul3A_0, %dma_start3A_44] : memref<10112x128xf32, #tpu.memory_space<vmem_shared>> -> memref<632x128xf32, #tpu.memory_space<vmem_shared>>
      tpu.enqueue_dma source(%dma_start3A_45 : memref<632x128xf32, #tpu.memory_space<vmem_shared>>) target(%dma_start3A_43 : memref<632x128xf32, #tpu.memory_space<hbm>>) target_semaphore(%run_scoped3A : memref<!tpu.dma_semaphore, #tpu.memory_space<semaphore_mem>>)
      %dma_wait3A = arith.constant 0 : i32
      %dma_wait3A_46 = tpu.memref_slice %arg6[%arg0, %mul3A_0, %dma_wait3A] : memref<2x10112x128xf32, #tpu.memory_space<hbm>> -> memref<1x632x128xf32, #tpu.memory_space<hbm>>
      %dma_wait3A_47 = tpu.memref_squeeze %dma_wait3A_46 : memref<1x632x128xf32, #tpu.memory_space<hbm>> -> memref<632x128xf32, #tpu.memory_space<hbm>>
      %dma_wait3A_48 = arith.constant 0 : i32
      %dma_wait3A_49 = tpu.memref_slice %arg10[%mul3A_0, %dma_wait3A_48] : memref<10112x128xf32, #tpu.memory_space<vmem_shared>> -> memref<632x128xf32, #tpu.memory_space<vmem_shared>>
      tpu.wait_dma2 semaphore(%run_scoped3A : memref<!tpu.dma_semaphore, #tpu.memory_space<semaphore_mem>>) src(%dma_wait3A_49 : memref<632x128xf32, #tpu.memory_space<vmem_shared>>) dst(%dma_wait3A_47 : memref<632x128xf32, #tpu.memory_space<hbm>>)
      tpu.yield
    }) : () -> ()
    return
  }
}

#map = affine_map<(d0, d1) -> (0, 0)>
#map1 = affine_map<(d0, d1) -> (0, 0, 0)>
module attributes {stable_mosaic.version = 14 : i64} {
  func.func @_scat_body(%arg0: i32, %arg1: i32, %arg2: memref<10000x128xf32, #tpu.memory_space<hbm>>, %arg3: memref<2560x128xi32, #tpu.memory_space<hbm>>, %arg4: memref<2560x128xi32, #tpu.memory_space<hbm>>, %arg5: memref<632x128xf32, #tpu.memory_space<hbm>>, %arg6: memref<2x10112x128xf32, #tpu.memory_space<hbm>>, %arg7: memref<56x128xi32, #tpu.memory_space<vmem>>, %arg8: memref<56x128xi32, #tpu.memory_space<vmem>>, %arg9: memref<2x128x128xf32, #tpu.memory_space<vmem>>, %arg10: memref<10112x128xf32, #tpu.memory_space<vmem_shared>>, %arg11: memref<!tpu.dma_semaphore, #tpu.memory_space<semaphore_mem>>) attributes {dimension_semantics = [#tpu.dimension_semantics<core_parallel>, #tpu.dimension_semantics<subcore_parallel>], iteration_bounds = array<i64: 2, 16>, scalar_prefetch = 0 : i64, scratch_operands = 5 : i64, tpu.core_type = #tpu.core_type<sc_vector_subcore>, window_params = [{transform_indices = #map}, {transform_indices = #map}, {transform_indices = #map}, {transform_indices = #map}, {transform_indices = #map1}]} {
    %mul3A = arith.constant 632 : i32
    %mul3A_0 = arith.muli %arg1, %mul3A : i32
    %eq3A = arith.constant 0 : i32
    %eq3A_1 = arith.cmpi eq, %arg0, %eq3A : i32
    %jit3A = arith.constant 56 : i32
    %jit3A_2 = arith.constant 24 : i32
    %select_n3A = arith.select %eq3A_1, %jit3A, %jit3A_2 : i32
    %mul3A_3 = arith.constant 160 : i32
    %mul3A_4 = arith.muli %arg1, %mul3A_3 : i32
    %mul3A_5 = arith.constant 112 : i32
    %mul3A_6 = arith.muli %arg0, %mul3A_5 : i32
    %add3A = arith.addi %mul3A_4, %mul3A_6 : i32
    "tpu.region"() ({
      %run_scoped3A = tpu.sem_alloc : memref<!tpu.dma_semaphore, #tpu.memory_space<semaphore_mem>>
      %dma_start3A_41 = arith.constant 0 : i32
      %dma_start3A_42 = tpu.memref_slice %arg3[%add3A, %dma_start3A_41] : memref<2560x128xi32, #tpu.memory_space<hbm>> -> memref<56x128xi32, #tpu.memory_space<hbm>>
      %dma_start3A_43 = arith.constant 0 : i32
      %dma_start3A_44 = tpu.memref_slice %arg3[%add3A, %dma_start3A_43] : memref<2560x128xi32, #tpu.memory_space<hbm>> -> memref<56x128xi32, #tpu.memory_space<hbm>>
      tpu.enqueue_dma source(%dma_start3A_44 : memref<56x128xi32, #tpu.memory_space<hbm>>) target(%arg7 : memref<56x128xi32, #tpu.memory_space<vmem>>) target_semaphore(%run_scoped3A : memref<!tpu.dma_semaphore, #tpu.memory_space<semaphore_mem>>)
      %dma_wait3A = arith.constant 0 : i32
      %dma_wait3A_45 = tpu.memref_slice %arg3[%add3A, %dma_wait3A] : memref<2560x128xi32, #tpu.memory_space<hbm>> -> memref<56x128xi32, #tpu.memory_space<hbm>>
      %dma_wait3A_46 = arith.constant 0 : i32
      %dma_wait3A_47 = tpu.memref_slice %arg3[%add3A, %dma_wait3A_46] : memref<2560x128xi32, #tpu.memory_space<hbm>> -> memref<56x128xi32, #tpu.memory_space<hbm>>
      tpu.wait_dma2 semaphore(%run_scoped3A : memref<!tpu.dma_semaphore, #tpu.memory_space<semaphore_mem>>) src(%dma_wait3A_47 : memref<56x128xi32, #tpu.memory_space<hbm>>) dst(%arg7 : memref<56x128xi32, #tpu.memory_space<vmem>>)
      tpu.yield
    }) : () -> ()
    "tpu.region"() ({
      %run_scoped3A = tpu.sem_alloc : memref<!tpu.dma_semaphore, #tpu.memory_space<semaphore_mem>>
      %dma_start3A_41 = arith.constant 0 : i32
      %dma_start3A_42 = tpu.memref_slice %arg4[%add3A, %dma_start3A_41] : memref<2560x128xi32, #tpu.memory_space<hbm>> -> memref<56x128xi32, #tpu.memory_space<hbm>>
      %dma_start3A_43 = arith.constant 0 : i32
      %dma_start3A_44 = tpu.memref_slice %arg4[%add3A, %dma_start3A_43] : memref<2560x128xi32, #tpu.memory_space<hbm>> -> memref<56x128xi32, #tpu.memory_space<hbm>>
      tpu.enqueue_dma source(%dma_start3A_44 : memref<56x128xi32, #tpu.memory_space<hbm>>) target(%arg8 : memref<56x128xi32, #tpu.memory_space<vmem>>) target_semaphore(%run_scoped3A : memref<!tpu.dma_semaphore, #tpu.memory_space<semaphore_mem>>)
      %dma_wait3A = arith.constant 0 : i32
      %dma_wait3A_45 = tpu.memref_slice %arg4[%add3A, %dma_wait3A] : memref<2560x128xi32, #tpu.memory_space<hbm>> -> memref<56x128xi32, #tpu.memory_space<hbm>>
      %dma_wait3A_46 = arith.constant 0 : i32
      %dma_wait3A_47 = tpu.memref_slice %arg4[%add3A, %dma_wait3A_46] : memref<2560x128xi32, #tpu.memory_space<hbm>> -> memref<56x128xi32, #tpu.memory_space<hbm>>
      tpu.wait_dma2 semaphore(%run_scoped3A : memref<!tpu.dma_semaphore, #tpu.memory_space<semaphore_mem>>) src(%dma_wait3A_47 : memref<56x128xi32, #tpu.memory_space<hbm>>) dst(%arg8 : memref<56x128xi32, #tpu.memory_space<vmem>>)
      tpu.yield
    }) : () -> ()
    %dma_start3A = arith.constant 0 : i32
    %dma_start3A_7 = arith.constant 0 : i32
    %dma_start3A_8 = arith.constant 0 : i32
    %dma_start3A_9 = arith.constant 0 : i32
    %dma_start3A_10 = tpu.memref_slice %arg9[%dma_start3A_7, %dma_start3A_8, %dma_start3A_9] : memref<2x128x128xf32, #tpu.memory_space<vmem>> -> memref<1x128x128xf32, #tpu.memory_space<vmem>>
    %dma_start3A_11 = tpu.memref_squeeze %dma_start3A_10 : memref<1x128x128xf32, #tpu.memory_space<vmem>> -> memref<128x128xf32, #tpu.memory_space<vmem>>
    %dma_start3A_12 = arith.constant 0 : i32
    %dma_start3A_13 = tpu.memref_slice %arg7[%dma_start3A, %dma_start3A_12] : memref<56x128xi32, #tpu.memory_space<vmem>> -> memref<1x128xi32, #tpu.memory_space<vmem>>
    %dma_start3A_14 = tpu.memref_squeeze %dma_start3A_13 : memref<1x128xi32, #tpu.memory_space<vmem>> -> memref<128xi32, #tpu.memory_space<vmem>>
    %dma_start3A_15 = arith.constant 0 : i32
    %dma_start3A_16 = arith.constant 0 : i32
    %dma_start3A_17 = tpu.memref_slice %arg2[%dma_start3A_15, %dma_start3A_16] : memref<10000x128xf32, #tpu.memory_space<hbm>> -> memref<10000x128xf32, #tpu.memory_space<hbm>>
    tpu.enqueue_indirect_dma source(%dma_start3A_17 : memref<10000x128xf32, #tpu.memory_space<hbm>>) target(%dma_start3A_11 : memref<128x128xf32, #tpu.memory_space<vmem>>) offsets(%dma_start3A_14 : memref<128xi32, #tpu.memory_space<vmem>>) semaphore(%arg11 : memref<!tpu.dma_semaphore, #tpu.memory_space<semaphore_mem>>)
    "tpu.region"() ({
      %run_scoped3A = tpu.sem_alloc : memref<!tpu.dma_semaphore, #tpu.memory_space<semaphore_mem>>
      %dma_start3A_41 = arith.constant 0 : i32
      %dma_start3A_42 = tpu.memref_slice %arg10[%mul3A_0, %dma_start3A_41] : memref<10112x128xf32, #tpu.memory_space<vmem_shared>> -> memref<632x128xf32, #tpu.memory_space<vmem_shared>>
      tpu.enqueue_dma source(%arg5 : memref<632x128xf32, #tpu.memory_space<hbm>>) target(%dma_start3A_42 : memref<632x128xf32, #tpu.memory_space<vmem_shared>>) target_semaphore(%run_scoped3A : memref<!tpu.dma_semaphore, #tpu.memory_space<semaphore_mem>>)
      %dma_wait3A = arith.constant 0 : i32
      %dma_wait3A_43 = tpu.memref_slice %arg10[%mul3A_0, %dma_wait3A] : memref<10112x128xf32, #tpu.memory_space<vmem_shared>> -> memref<632x128xf32, #tpu.memory_space<vmem_shared>>
      tpu.wait_dma2 semaphore(%run_scoped3A : memref<!tpu.dma_semaphore, #tpu.memory_space<semaphore_mem>>) src(%arg5 : memref<632x128xf32, #tpu.memory_space<hbm>>) dst(%dma_wait3A_43 : memref<632x128xf32, #tpu.memory_space<vmem_shared>>)
      tpu.yield
    }) : () -> ()
    %barrier3A = arith.constant 0 : index
    tpu.barrier barrier_id(%barrier3A)
    %scan3A = arith.constant 0 : i32
    %scan3A_18 = arith.constant 56 : i32
    %scan3A_19 = arith.addi %scan3A, %scan3A_18 : i32
    %scan3A_20 = arith.constant 1 : i32
    scf.for %scan3A_41 = %scan3A to %scan3A_19 step %scan3A_20  : i32 {
      %mul3A_42 = arith.constant 1 : i32
      %mul3A_43 = arith.muli %scan3A_41, %mul3A_42 : i32
      %add3A_44 = arith.constant 0 : i32
      %add3A_45 = arith.addi %add3A_44, %mul3A_43 : i32
      %rem3A = arith.constant 2 : i32
      %rem3A_46 = arith.remsi %add3A_45, %rem3A : i32
      %lt3A = arith.cmpi slt, %add3A_45, %select_n3A : i32
      %convert_element_type3A = arith.extui %lt3A : i1 to i32
      %cond3A = arith.constant 0 : i32
      %cond3A_47 = arith.cmpi ne, %convert_element_type3A, %cond3A : i32
      scf.if %cond3A_47 {
        %dma_wait3A = arith.constant 0 : i32
        %dma_wait3A_58 = arith.constant 0 : i32
        %dma_wait3A_59 = tpu.memref_slice %arg9[%rem3A_46, %dma_wait3A, %dma_wait3A_58] : memref<2x128x128xf32, #tpu.memory_space<vmem>> -> memref<1x128x128xf32, #tpu.memory_space<vmem>>
        %dma_wait3A_60 = tpu.memref_squeeze %dma_wait3A_59 : memref<1x128x128xf32, #tpu.memory_space<vmem>> -> memref<128x128xf32, #tpu.memory_space<vmem>>
        %dma_wait3A_61 = arith.constant 0 : i32
        %dma_wait3A_62 = tpu.memref_slice %arg7[%add3A_45, %dma_wait3A_61] : memref<56x128xi32, #tpu.memory_space<vmem>> -> memref<1x128xi32, #tpu.memory_space<vmem>>
        %dma_wait3A_63 = tpu.memref_squeeze %dma_wait3A_62 : memref<1x128xi32, #tpu.memory_space<vmem>> -> memref<128xi32, #tpu.memory_space<vmem>>
        %dma_wait3A_64 = arith.constant 0 : i32
        %dma_wait3A_65 = arith.constant 0 : i32
        %dma_wait3A_66 = tpu.memref_slice %arg2[%dma_wait3A_64, %dma_wait3A_65] : memref<10000x128xf32, #tpu.memory_space<hbm>> -> memref<10000x128xf32, #tpu.memory_space<hbm>>
        tpu.wait_indirect_dma semaphore(%arg11 : memref<!tpu.dma_semaphore, #tpu.memory_space<semaphore_mem>>) src(%dma_wait3A_66 : memref<10000x128xf32, #tpu.memory_space<hbm>>) dst(%dma_wait3A_60 : memref<128x128xf32, #tpu.memory_space<vmem>>)
      } else {
      }
      %add3A_48 = arith.constant 1 : i32
      %add3A_49 = arith.addi %add3A_45, %add3A_48 : i32
      %lt3A_50 = arith.cmpi slt, %add3A_49, %select_n3A : i32
      %convert_element_type3A_51 = arith.extui %lt3A_50 : i1 to i32
      %cond3A_52 = arith.constant 0 : i32
      %cond3A_53 = arith.cmpi ne, %convert_element_type3A_51, %cond3A_52 : i32
      scf.if %cond3A_53 {
        %add3A_58 = arith.constant 1 : i32
        %add3A_59 = arith.addi %add3A_45, %add3A_58 : i32
        %sub3A = arith.constant 1 : i32
        %sub3A_60 = arith.subi %sub3A, %rem3A_46 : i32
        %dma_start3A_61 = arith.constant 0 : i32
        %dma_start3A_62 = arith.constant 0 : i32
        %dma_start3A_63 = tpu.memref_slice %arg9[%sub3A_60, %dma_start3A_61, %dma_start3A_62] : memref<2x128x128xf32, #tpu.memory_space<vmem>> -> memref<1x128x128xf32, #tpu.memory_space<vmem>>
        %dma_start3A_64 = tpu.memref_squeeze %dma_start3A_63 : memref<1x128x128xf32, #tpu.memory_space<vmem>> -> memref<128x128xf32, #tpu.memory_space<vmem>>
        %dma_start3A_65 = arith.constant 0 : i32
        %dma_start3A_66 = tpu.memref_slice %arg7[%add3A_59, %dma_start3A_65] : memref<56x128xi32, #tpu.memory_space<vmem>> -> memref<1x128xi32, #tpu.memory_space<vmem>>
        %dma_start3A_67 = tpu.memref_squeeze %dma_start3A_66 : memref<1x128xi32, #tpu.memory_space<vmem>> -> memref<128xi32, #tpu.memory_space<vmem>>
        %dma_start3A_68 = arith.constant 0 : i32
        %dma_start3A_69 = arith.constant 0 : i32
        %dma_start3A_70 = tpu.memref_slice %arg2[%dma_start3A_68, %dma_start3A_69] : memref<10000x128xf32, #tpu.memory_space<hbm>> -> memref<10000x128xf32, #tpu.memory_space<hbm>>
        tpu.enqueue_indirect_dma source(%dma_start3A_70 : memref<10000x128xf32, #tpu.memory_space<hbm>>) target(%dma_start3A_64 : memref<128x128xf32, #tpu.memory_space<vmem>>) offsets(%dma_start3A_67 : memref<128xi32, #tpu.memory_space<vmem>>) semaphore(%arg11 : memref<!tpu.dma_semaphore, #tpu.memory_space<semaphore_mem>>)
      } else {
      }
      %lt3A_54 = arith.cmpi slt, %add3A_45, %select_n3A : i32
      %convert_element_type3A_55 = arith.extui %lt3A_54 : i1 to i32
      %cond3A_56 = arith.constant 0 : i32
      %cond3A_57 = arith.cmpi ne, %convert_element_type3A_55, %cond3A_56 : i32
      scf.if %cond3A_57 {
        "tpu.region"() ({
          %run_scoped3A = tpu.sem_alloc : memref<!tpu.dma_semaphore, #tpu.memory_space<semaphore_mem>>
          %dma_start3A_58 = arith.constant 0 : i32
          %dma_start3A_59 = arith.constant 0 : i32
          %dma_start3A_60 = tpu.memref_slice %arg9[%rem3A_46, %dma_start3A_58, %dma_start3A_59] : memref<2x128x128xf32, #tpu.memory_space<vmem>> -> memref<1x128x128xf32, #tpu.memory_space<vmem>>
          %dma_start3A_61 = tpu.memref_squeeze %dma_start3A_60 : memref<1x128x128xf32, #tpu.memory_space<vmem>> -> memref<128x128xf32, #tpu.memory_space<vmem>>
          %dma_start3A_62 = arith.constant 0 : i32
          %dma_start3A_63 = tpu.memref_slice %arg8[%add3A_45, %dma_start3A_62] : memref<56x128xi32, #tpu.memory_space<vmem>> -> memref<1x128xi32, #tpu.memory_space<vmem>>
          %dma_start3A_64 = tpu.memref_squeeze %dma_start3A_63 : memref<1x128xi32, #tpu.memory_space<vmem>> -> memref<128xi32, #tpu.memory_space<vmem>>
          %dma_start3A_65 = arith.constant 0 : i32
          %dma_start3A_66 = arith.constant 0 : i32
          %dma_start3A_67 = tpu.memref_slice %arg10[%dma_start3A_65, %dma_start3A_66] : memref<10112x128xf32, #tpu.memory_space<vmem_shared>> -> memref<10112x128xf32, #tpu.memory_space<vmem_shared>>
          tpu.enqueue_indirect_dma source(%dma_start3A_61 : memref<128x128xf32, #tpu.memory_space<vmem>>) target(%dma_start3A_67 : memref<10112x128xf32, #tpu.memory_space<vmem_shared>>) offsets(%dma_start3A_64 : memref<128xi32, #tpu.memory_space<vmem>>) semaphore(%run_scoped3A : memref<!tpu.dma_semaphore, #tpu.memory_space<semaphore_mem>>) {add = true}
          %dma_wait3A = arith.constant 0 : i32
          %dma_wait3A_68 = arith.constant 0 : i32
          %dma_wait3A_69 = tpu.memref_slice %arg9[%rem3A_46, %dma_wait3A, %dma_wait3A_68] : memref<2x128x128xf32, #tpu.memory_space<vmem>> -> memref<1x128x128xf32, #tpu.memory_space<vmem>>
          %dma_wait3A_70 = tpu.memref_squeeze %dma_wait3A_69 : memref<1x128x128xf32, #tpu.memory_space<vmem>> -> memref<128x128xf32, #tpu.memory_space<vmem>>
          %dma_wait3A_71 = arith.constant 0 : i32
          %dma_wait3A_72 = tpu.memref_slice %arg8[%add3A_45, %dma_wait3A_71] : memref<56x128xi32, #tpu.memory_space<vmem>> -> memref<1x128xi32, #tpu.memory_space<vmem>>
          %dma_wait3A_73 = tpu.memref_squeeze %dma_wait3A_72 : memref<1x128xi32, #tpu.memory_space<vmem>> -> memref<128xi32, #tpu.memory_space<vmem>>
          %dma_wait3A_74 = arith.constant 0 : i32
          %dma_wait3A_75 = arith.constant 0 : i32
          %dma_wait3A_76 = tpu.memref_slice %arg10[%dma_wait3A_74, %dma_wait3A_75] : memref<10112x128xf32, #tpu.memory_space<vmem_shared>> -> memref<10112x128xf32, #tpu.memory_space<vmem_shared>>
          tpu.wait_indirect_dma semaphore(%run_scoped3A : memref<!tpu.dma_semaphore, #tpu.memory_space<semaphore_mem>>) src(%dma_wait3A_70 : memref<128x128xf32, #tpu.memory_space<vmem>>) dst(%dma_wait3A_76 : memref<10112x128xf32, #tpu.memory_space<vmem_shared>>)
          tpu.yield
        }) : () -> ()
      } else {
      }
    }
    %scan3A_21 = arith.constant 56 : i32
    %add3A_22 = arith.addi %add3A, %select_n3A : i32
    "tpu.region"() ({
      %run_scoped3A = tpu.sem_alloc : memref<!tpu.dma_semaphore, #tpu.memory_space<semaphore_mem>>
      %dma_start3A_41 = arith.constant 0 : i32
      %dma_start3A_42 = tpu.memref_slice %arg3[%add3A_22, %dma_start3A_41] : memref<2560x128xi32, #tpu.memory_space<hbm>> -> memref<56x128xi32, #tpu.memory_space<hbm>>
      %dma_start3A_43 = arith.constant 0 : i32
      %dma_start3A_44 = tpu.memref_slice %arg3[%add3A_22, %dma_start3A_43] : memref<2560x128xi32, #tpu.memory_space<hbm>> -> memref<56x128xi32, #tpu.memory_space<hbm>>
      tpu.enqueue_dma source(%dma_start3A_44 : memref<56x128xi32, #tpu.memory_space<hbm>>) target(%arg7 : memref<56x128xi32, #tpu.memory_space<vmem>>) target_semaphore(%run_scoped3A : memref<!tpu.dma_semaphore, #tpu.memory_space<semaphore_mem>>)
      %dma_wait3A = arith.constant 0 : i32
      %dma_wait3A_45 = tpu.memref_slice %arg3[%add3A_22, %dma_wait3A] : memref<2560x128xi32, #tpu.memory_space<hbm>> -> memref<56x128xi32, #tpu.memory_space<hbm>>
      %dma_wait3A_46 = arith.constant 0 : i32
      %dma_wait3A_47 = tpu.memref_slice %arg3[%add3A_22, %dma_wait3A_46] : memref<2560x128xi32, #tpu.memory_space<hbm>> -> memref<56x128xi32, #tpu.memory_space<hbm>>
      tpu.wait_dma2 semaphore(%run_scoped3A : memref<!tpu.dma_semaphore, #tpu.memory_space<semaphore_mem>>) src(%dma_wait3A_47 : memref<56x128xi32, #tpu.memory_space<hbm>>) dst(%arg7 : memref<56x128xi32, #tpu.memory_space<vmem>>)
      tpu.yield
    }) : () -> ()
    "tpu.region"() ({
      %run_scoped3A = tpu.sem_alloc : memref<!tpu.dma_semaphore, #tpu.memory_space<semaphore_mem>>
      %dma_start3A_41 = arith.constant 0 : i32
      %dma_start3A_42 = tpu.memref_slice %arg4[%add3A_22, %dma_start3A_41] : memref<2560x128xi32, #tpu.memory_space<hbm>> -> memref<56x128xi32, #tpu.memory_space<hbm>>
      %dma_start3A_43 = arith.constant 0 : i32
      %dma_start3A_44 = tpu.memref_slice %arg4[%add3A_22, %dma_start3A_43] : memref<2560x128xi32, #tpu.memory_space<hbm>> -> memref<56x128xi32, #tpu.memory_space<hbm>>
      tpu.enqueue_dma source(%dma_start3A_44 : memref<56x128xi32, #tpu.memory_space<hbm>>) target(%arg8 : memref<56x128xi32, #tpu.memory_space<vmem>>) target_semaphore(%run_scoped3A : memref<!tpu.dma_semaphore, #tpu.memory_space<semaphore_mem>>)
      %dma_wait3A = arith.constant 0 : i32
      %dma_wait3A_45 = tpu.memref_slice %arg4[%add3A_22, %dma_wait3A] : memref<2560x128xi32, #tpu.memory_space<hbm>> -> memref<56x128xi32, #tpu.memory_space<hbm>>
      %dma_wait3A_46 = arith.constant 0 : i32
      %dma_wait3A_47 = tpu.memref_slice %arg4[%add3A_22, %dma_wait3A_46] : memref<2560x128xi32, #tpu.memory_space<hbm>> -> memref<56x128xi32, #tpu.memory_space<hbm>>
      tpu.wait_dma2 semaphore(%run_scoped3A : memref<!tpu.dma_semaphore, #tpu.memory_space<semaphore_mem>>) src(%dma_wait3A_47 : memref<56x128xi32, #tpu.memory_space<hbm>>) dst(%arg8 : memref<56x128xi32, #tpu.memory_space<vmem>>)
      tpu.yield
    }) : () -> ()
    %dma_start3A_23 = arith.constant 0 : i32
    %dma_start3A_24 = arith.constant 0 : i32
    %dma_start3A_25 = arith.constant 0 : i32
    %dma_start3A_26 = arith.constant 0 : i32
    %dma_start3A_27 = tpu.memref_slice %arg9[%dma_start3A_24, %dma_start3A_25, %dma_start3A_26] : memref<2x128x128xf32, #tpu.memory_space<vmem>> -> memref<1x128x128xf32, #tpu.memory_space<vmem>>
    %dma_start3A_28 = tpu.memref_squeeze %dma_start3A_27 : memref<1x128x128xf32, #tpu.memory_space<vmem>> -> memref<128x128xf32, #tpu.memory_space<vmem>>
    %dma_start3A_29 = arith.constant 0 : i32
    %dma_start3A_30 = tpu.memref_slice %arg7[%dma_start3A_23, %dma_start3A_29] : memref<56x128xi32, #tpu.memory_space<vmem>> -> memref<1x128xi32, #tpu.memory_space<vmem>>
    %dma_start3A_31 = tpu.memref_squeeze %dma_start3A_30 : memref<1x128xi32, #tpu.memory_space<vmem>> -> memref<128xi32, #tpu.memory_space<vmem>>
    %dma_start3A_32 = arith.constant 0 : i32
    %dma_start3A_33 = arith.constant 0 : i32
    %dma_start3A_34 = tpu.memref_slice %arg2[%dma_start3A_32, %dma_start3A_33] : memref<10000x128xf32, #tpu.memory_space<hbm>> -> memref<10000x128xf32, #tpu.memory_space<hbm>>
    tpu.enqueue_indirect_dma source(%dma_start3A_34 : memref<10000x128xf32, #tpu.memory_space<hbm>>) target(%dma_start3A_28 : memref<128x128xf32, #tpu.memory_space<vmem>>) offsets(%dma_start3A_31 : memref<128xi32, #tpu.memory_space<vmem>>) semaphore(%arg11 : memref<!tpu.dma_semaphore, #tpu.memory_space<semaphore_mem>>)
    %scan3A_35 = arith.constant 0 : i32
    %scan3A_36 = arith.constant 56 : i32
    %scan3A_37 = arith.addi %scan3A_35, %scan3A_36 : i32
    %scan3A_38 = arith.constant 1 : i32
    scf.for %scan3A_41 = %scan3A_35 to %scan3A_37 step %scan3A_38  : i32 {
      %mul3A_42 = arith.constant 1 : i32
      %mul3A_43 = arith.muli %scan3A_41, %mul3A_42 : i32
      %add3A_44 = arith.constant 0 : i32
      %add3A_45 = arith.addi %add3A_44, %mul3A_43 : i32
      %rem3A = arith.constant 2 : i32
      %rem3A_46 = arith.remsi %add3A_45, %rem3A : i32
      %lt3A = arith.cmpi slt, %add3A_45, %select_n3A : i32
      %convert_element_type3A = arith.extui %lt3A : i1 to i32
      %cond3A = arith.constant 0 : i32
      %cond3A_47 = arith.cmpi ne, %convert_element_type3A, %cond3A : i32
      scf.if %cond3A_47 {
        %dma_wait3A = arith.constant 0 : i32
        %dma_wait3A_58 = arith.constant 0 : i32
        %dma_wait3A_59 = tpu.memref_slice %arg9[%rem3A_46, %dma_wait3A, %dma_wait3A_58] : memref<2x128x128xf32, #tpu.memory_space<vmem>> -> memref<1x128x128xf32, #tpu.memory_space<vmem>>
        %dma_wait3A_60 = tpu.memref_squeeze %dma_wait3A_59 : memref<1x128x128xf32, #tpu.memory_space<vmem>> -> memref<128x128xf32, #tpu.memory_space<vmem>>
        %dma_wait3A_61 = arith.constant 0 : i32
        %dma_wait3A_62 = tpu.memref_slice %arg7[%add3A_45, %dma_wait3A_61] : memref<56x128xi32, #tpu.memory_space<vmem>> -> memref<1x128xi32, #tpu.memory_space<vmem>>
        %dma_wait3A_63 = tpu.memref_squeeze %dma_wait3A_62 : memref<1x128xi32, #tpu.memory_space<vmem>> -> memref<128xi32, #tpu.memory_space<vmem>>
        %dma_wait3A_64 = arith.constant 0 : i32
        %dma_wait3A_65 = arith.constant 0 : i32
        %dma_wait3A_66 = tpu.memref_slice %arg2[%dma_wait3A_64, %dma_wait3A_65] : memref<10000x128xf32, #tpu.memory_space<hbm>> -> memref<10000x128xf32, #tpu.memory_space<hbm>>
        tpu.wait_indirect_dma semaphore(%arg11 : memref<!tpu.dma_semaphore, #tpu.memory_space<semaphore_mem>>) src(%dma_wait3A_66 : memref<10000x128xf32, #tpu.memory_space<hbm>>) dst(%dma_wait3A_60 : memref<128x128xf32, #tpu.memory_space<vmem>>)
      } else {
      }
      %add3A_48 = arith.constant 1 : i32
      %add3A_49 = arith.addi %add3A_45, %add3A_48 : i32
      %lt3A_50 = arith.cmpi slt, %add3A_49, %select_n3A : i32
      %convert_element_type3A_51 = arith.extui %lt3A_50 : i1 to i32
      %cond3A_52 = arith.constant 0 : i32
      %cond3A_53 = arith.cmpi ne, %convert_element_type3A_51, %cond3A_52 : i32
      scf.if %cond3A_53 {
        %add3A_58 = arith.constant 1 : i32
        %add3A_59 = arith.addi %add3A_45, %add3A_58 : i32
        %sub3A = arith.constant 1 : i32
        %sub3A_60 = arith.subi %sub3A, %rem3A_46 : i32
        %dma_start3A_61 = arith.constant 0 : i32
        %dma_start3A_62 = arith.constant 0 : i32
        %dma_start3A_63 = tpu.memref_slice %arg9[%sub3A_60, %dma_start3A_61, %dma_start3A_62] : memref<2x128x128xf32, #tpu.memory_space<vmem>> -> memref<1x128x128xf32, #tpu.memory_space<vmem>>
        %dma_start3A_64 = tpu.memref_squeeze %dma_start3A_63 : memref<1x128x128xf32, #tpu.memory_space<vmem>> -> memref<128x128xf32, #tpu.memory_space<vmem>>
        %dma_start3A_65 = arith.constant 0 : i32
        %dma_start3A_66 = tpu.memref_slice %arg7[%add3A_59, %dma_start3A_65] : memref<56x128xi32, #tpu.memory_space<vmem>> -> memref<1x128xi32, #tpu.memory_space<vmem>>
        %dma_start3A_67 = tpu.memref_squeeze %dma_start3A_66 : memref<1x128xi32, #tpu.memory_space<vmem>> -> memref<128xi32, #tpu.memory_space<vmem>>
        %dma_start3A_68 = arith.constant 0 : i32
        %dma_start3A_69 = arith.constant 0 : i32
        %dma_start3A_70 = tpu.memref_slice %arg2[%dma_start3A_68, %dma_start3A_69] : memref<10000x128xf32, #tpu.memory_space<hbm>> -> memref<10000x128xf32, #tpu.memory_space<hbm>>
        tpu.enqueue_indirect_dma source(%dma_start3A_70 : memref<10000x128xf32, #tpu.memory_space<hbm>>) target(%dma_start3A_64 : memref<128x128xf32, #tpu.memory_space<vmem>>) offsets(%dma_start3A_67 : memref<128xi32, #tpu.memory_space<vmem>>) semaphore(%arg11 : memref<!tpu.dma_semaphore, #tpu.memory_space<semaphore_mem>>)
      } else {
      }
      %lt3A_54 = arith.cmpi slt, %add3A_45, %select_n3A : i32
      %convert_element_type3A_55 = arith.extui %lt3A_54 : i1 to i32
      %cond3A_56 = arith.constant 0 : i32
      %cond3A_57 = arith.cmpi ne, %convert_element_type3A_55, %cond3A_56 : i32
      scf.if %cond3A_57 {
        "tpu.region"() ({
          %run_scoped3A = tpu.sem_alloc : memref<!tpu.dma_semaphore, #tpu.memory_space<semaphore_mem>>
          %dma_start3A_58 = arith.constant 0 : i32
          %dma_start3A_59 = arith.constant 0 : i32
          %dma_start3A_60 = tpu.memref_slice %arg9[%rem3A_46, %dma_start3A_58, %dma_start3A_59] : memref<2x128x128xf32, #tpu.memory_space<vmem>> -> memref<1x128x128xf32, #tpu.memory_space<vmem>>
          %dma_start3A_61 = tpu.memref_squeeze %dma_start3A_60 : memref<1x128x128xf32, #tpu.memory_space<vmem>> -> memref<128x128xf32, #tpu.memory_space<vmem>>
          %dma_start3A_62 = arith.constant 0 : i32
          %dma_start3A_63 = tpu.memref_slice %arg8[%add3A_45, %dma_start3A_62] : memref<56x128xi32, #tpu.memory_space<vmem>> -> memref<1x128xi32, #tpu.memory_space<vmem>>
          %dma_start3A_64 = tpu.memref_squeeze %dma_start3A_63 : memref<1x128xi32, #tpu.memory_space<vmem>> -> memref<128xi32, #tpu.memory_space<vmem>>
          %dma_start3A_65 = arith.constant 0 : i32
          %dma_start3A_66 = arith.constant 0 : i32
          %dma_start3A_67 = tpu.memref_slice %arg10[%dma_start3A_65, %dma_start3A_66] : memref<10112x128xf32, #tpu.memory_space<vmem_shared>> -> memref<10112x128xf32, #tpu.memory_space<vmem_shared>>
          tpu.enqueue_indirect_dma source(%dma_start3A_61 : memref<128x128xf32, #tpu.memory_space<vmem>>) target(%dma_start3A_67 : memref<10112x128xf32, #tpu.memory_space<vmem_shared>>) offsets(%dma_start3A_64 : memref<128xi32, #tpu.memory_space<vmem>>) semaphore(%run_scoped3A : memref<!tpu.dma_semaphore, #tpu.memory_space<semaphore_mem>>) {add = true}
          %dma_wait3A = arith.constant 0 : i32
          %dma_wait3A_68 = arith.constant 0 : i32
          %dma_wait3A_69 = tpu.memref_slice %arg9[%rem3A_46, %dma_wait3A, %dma_wait3A_68] : memref<2x128x128xf32, #tpu.memory_space<vmem>> -> memref<1x128x128xf32, #tpu.memory_space<vmem>>
          %dma_wait3A_70 = tpu.memref_squeeze %dma_wait3A_69 : memref<1x128x128xf32, #tpu.memory_space<vmem>> -> memref<128x128xf32, #tpu.memory_space<vmem>>
          %dma_wait3A_71 = arith.constant 0 : i32
          %dma_wait3A_72 = tpu.memref_slice %arg8[%add3A_45, %dma_wait3A_71] : memref<56x128xi32, #tpu.memory_space<vmem>> -> memref<1x128xi32, #tpu.memory_space<vmem>>
          %dma_wait3A_73 = tpu.memref_squeeze %dma_wait3A_72 : memref<1x128xi32, #tpu.memory_space<vmem>> -> memref<128xi32, #tpu.memory_space<vmem>>
          %dma_wait3A_74 = arith.constant 0 : i32
          %dma_wait3A_75 = arith.constant 0 : i32
          %dma_wait3A_76 = tpu.memref_slice %arg10[%dma_wait3A_74, %dma_wait3A_75] : memref<10112x128xf32, #tpu.memory_space<vmem_shared>> -> memref<10112x128xf32, #tpu.memory_space<vmem_shared>>
          tpu.wait_indirect_dma semaphore(%run_scoped3A : memref<!tpu.dma_semaphore, #tpu.memory_space<semaphore_mem>>) src(%dma_wait3A_70 : memref<128x128xf32, #tpu.memory_space<vmem>>) dst(%dma_wait3A_76 : memref<10112x128xf32, #tpu.memory_space<vmem_shared>>)
          tpu.yield
        }) : () -> ()
      } else {
      }
    }
    %scan3A_39 = arith.constant 56 : i32
    %barrier3A_40 = arith.constant 0 : index
    tpu.barrier barrier_id(%barrier3A_40)
    "tpu.region"() ({
      %run_scoped3A = tpu.sem_alloc : memref<!tpu.dma_semaphore, #tpu.memory_space<semaphore_mem>>
      %dma_start3A_41 = arith.constant 0 : i32
      %dma_start3A_42 = tpu.memref_slice %arg6[%arg0, %mul3A_0, %dma_start3A_41] : memref<2x10112x128xf32, #tpu.memory_space<hbm>> -> memref<1x632x128xf32, #tpu.memory_space<hbm>>
      %dma_start3A_43 = tpu.memref_squeeze %dma_start3A_42 : memref<1x632x128xf32, #tpu.memory_space<hbm>> -> memref<632x128xf32, #tpu.memory_space<hbm>>
      %dma_start3A_44 = arith.constant 0 : i32
      %dma_start3A_45 = tpu.memref_slice %arg10[%mul3A_0, %dma_start3A_44] : memref<10112x128xf32, #tpu.memory_space<vmem_shared>> -> memref<632x128xf32, #tpu.memory_space<vmem_shared>>
      tpu.enqueue_dma source(%dma_start3A_45 : memref<632x128xf32, #tpu.memory_space<vmem_shared>>) target(%dma_start3A_43 : memref<632x128xf32, #tpu.memory_space<hbm>>) target_semaphore(%run_scoped3A : memref<!tpu.dma_semaphore, #tpu.memory_space<semaphore_mem>>)
      %dma_wait3A = arith.constant 0 : i32
      %dma_wait3A_46 = tpu.memref_slice %arg6[%arg0, %mul3A_0, %dma_wait3A] : memref<2x10112x128xf32, #tpu.memory_space<hbm>> -> memref<1x632x128xf32, #tpu.memory_space<hbm>>
      %dma_wait3A_47 = tpu.memref_squeeze %dma_wait3A_46 : memref<1x632x128xf32, #tpu.memory_space<hbm>> -> memref<632x128xf32, #tpu.memory_space<hbm>>
      %dma_wait3A_48 = arith.constant 0 : i32
      %dma_wait3A_49 = tpu.memref_slice %arg10[%mul3A_0, %dma_wait3A_48] : memref<10112x128xf32, #tpu.memory_space<vmem_shared>> -> memref<632x128xf32, #tpu.memory_space<vmem_shared>>
      tpu.wait_dma2 semaphore(%run_scoped3A : memref<!tpu.dma_semaphore, #tpu.memory_space<semaphore_mem>>) src(%dma_wait3A_49 : memref<632x128xf32, #tpu.memory_space<vmem_shared>>) dst(%dma_wait3A_47 : memref<632x128xf32, #tpu.memory_space<hbm>>)
      tpu.yield
    }) : () -> ()
    return
  }
}

#map = affine_map<(d0, d1) -> (0, 0)>
#map1 = affine_map<(d0, d1) -> (0)>
module attributes {stable_mosaic.version = 14 : i64} {
  func.func @_deg_body(%arg0: i32, %arg1: i32, %arg2: memref<2560x128xi32, #tpu.memory_space<hbm>>, %arg3: memref<640xf32, #tpu.memory_space<hbm>>, %arg4: memref<128xf32, #tpu.memory_space<hbm>>, %arg5: memref<20480xf32, #tpu.memory_space<hbm>>, %arg6: memref<80x128xi32, #tpu.memory_space<vmem>>, %arg7: memref<128xf32, #tpu.memory_space<vmem>>, %arg8: memref<10240xf32, #tpu.memory_space<vmem_shared>>) attributes {dimension_semantics = [#tpu.dimension_semantics<core_parallel>, #tpu.dimension_semantics<subcore_parallel>], iteration_bounds = array<i64: 2, 16>, scalar_prefetch = 0 : i64, scratch_operands = 3 : i64, tpu.core_type = #tpu.core_type<sc_vector_subcore>, window_params = [{transform_indices = #map}, {transform_indices = #map1}, {transform_indices = #map1}, {transform_indices = #map1}]} {
    %mul3A = arith.constant 2 : i32
    %mul3A_0 = arith.muli %arg1, %mul3A : i32
    %add3A = arith.addi %mul3A_0, %arg0 : i32
    %mul3A_1 = arith.constant 640 : i32
    %mul3A_2 = arith.muli %arg1, %mul3A_1 : i32
    "tpu.region"() ({
      %run_scoped3A = tpu.sem_alloc : memref<!tpu.dma_semaphore, #tpu.memory_space<semaphore_mem>>
      %dma_start3A = tpu.memref_slice %arg8[%mul3A_2] : memref<10240xf32, #tpu.memory_space<vmem_shared>> -> memref<640xf32, #tpu.memory_space<vmem_shared>>
      tpu.enqueue_dma source(%arg3 : memref<640xf32, #tpu.memory_space<hbm>>) target(%dma_start3A : memref<640xf32, #tpu.memory_space<vmem_shared>>) target_semaphore(%run_scoped3A : memref<!tpu.dma_semaphore, #tpu.memory_space<semaphore_mem>>)
      %dma_wait3A = tpu.memref_slice %arg8[%mul3A_2] : memref<10240xf32, #tpu.memory_space<vmem_shared>> -> memref<640xf32, #tpu.memory_space<vmem_shared>>
      tpu.wait_dma2 semaphore(%run_scoped3A : memref<!tpu.dma_semaphore, #tpu.memory_space<semaphore_mem>>) src(%arg3 : memref<640xf32, #tpu.memory_space<hbm>>) dst(%dma_wait3A : memref<640xf32, #tpu.memory_space<vmem_shared>>)
      tpu.yield
    }) : () -> ()
    %barrier3A = arith.constant 0 : index
    tpu.barrier barrier_id(%barrier3A)
    %mul3A_3 = arith.constant 80 : i32
    %mul3A_4 = arith.muli %add3A, %mul3A_3 : i32
    "tpu.region"() ({
      %run_scoped3A = tpu.sem_alloc : memref<!tpu.dma_semaphore, #tpu.memory_space<semaphore_mem>>
      %dma_start3A = arith.constant 0 : i32
      %dma_start3A_15 = tpu.memref_slice %arg2[%mul3A_4, %dma_start3A] : memref<2560x128xi32, #tpu.memory_space<hbm>> -> memref<80x128xi32, #tpu.memory_space<hbm>>
      %dma_start3A_16 = arith.constant 0 : i32
      %dma_start3A_17 = tpu.memref_slice %arg2[%mul3A_4, %dma_start3A_16] : memref<2560x128xi32, #tpu.memory_space<hbm>> -> memref<80x128xi32, #tpu.memory_space<hbm>>
      tpu.enqueue_dma source(%dma_start3A_17 : memref<80x128xi32, #tpu.memory_space<hbm>>) target(%arg6 : memref<80x128xi32, #tpu.memory_space<vmem>>) target_semaphore(%run_scoped3A : memref<!tpu.dma_semaphore, #tpu.memory_space<semaphore_mem>>)
      %dma_wait3A = arith.constant 0 : i32
      %dma_wait3A_18 = tpu.memref_slice %arg2[%mul3A_4, %dma_wait3A] : memref<2560x128xi32, #tpu.memory_space<hbm>> -> memref<80x128xi32, #tpu.memory_space<hbm>>
      %dma_wait3A_19 = arith.constant 0 : i32
      %dma_wait3A_20 = tpu.memref_slice %arg2[%mul3A_4, %dma_wait3A_19] : memref<2560x128xi32, #tpu.memory_space<hbm>> -> memref<80x128xi32, #tpu.memory_space<hbm>>
      tpu.wait_dma2 semaphore(%run_scoped3A : memref<!tpu.dma_semaphore, #tpu.memory_space<semaphore_mem>>) src(%dma_wait3A_20 : memref<80x128xi32, #tpu.memory_space<hbm>>) dst(%arg6 : memref<80x128xi32, #tpu.memory_space<vmem>>)
      tpu.yield
    }) : () -> ()
    "tpu.region"() ({
      %run_scoped3A = tpu.sem_alloc : memref<!tpu.dma_semaphore, #tpu.memory_space<semaphore_mem>>
      tpu.enqueue_dma source(%arg4 : memref<128xf32, #tpu.memory_space<hbm>>) target(%arg7 : memref<128xf32, #tpu.memory_space<vmem>>) target_semaphore(%run_scoped3A : memref<!tpu.dma_semaphore, #tpu.memory_space<semaphore_mem>>)
      tpu.wait_dma2 semaphore(%run_scoped3A : memref<!tpu.dma_semaphore, #tpu.memory_space<semaphore_mem>>) src(%arg4 : memref<128xf32, #tpu.memory_space<hbm>>) dst(%arg7 : memref<128xf32, #tpu.memory_space<vmem>>)
      tpu.yield
    }) : () -> ()
    %scan3A = arith.constant 0 : i32
    %scan3A_5 = arith.constant 80 : i32
    %scan3A_6 = arith.addi %scan3A, %scan3A_5 : i32
    %scan3A_7 = arith.constant 1 : i32
    scf.for %scan3A_15 = %scan3A to %scan3A_6 step %scan3A_7  : i32 {
      %mul3A_16 = arith.constant 1 : i32
      %mul3A_17 = arith.muli %scan3A_15, %mul3A_16 : i32
      %add3A_18 = arith.constant 0 : i32
      %add3A_19 = arith.addi %add3A_18, %mul3A_17 : i32
      "tpu.region"() ({
        %run_scoped3A = tpu.sem_alloc : memref<!tpu.dma_semaphore, #tpu.memory_space<semaphore_mem>>
        %dma_start3A = arith.constant 0 : i32
        %dma_start3A_20 = tpu.memref_slice %arg6[%add3A_19, %dma_start3A] : memref<80x128xi32, #tpu.memory_space<vmem>> -> memref<1x128xi32, #tpu.memory_space<vmem>>
        %dma_start3A_21 = tpu.memref_squeeze %dma_start3A_20 : memref<1x128xi32, #tpu.memory_space<vmem>> -> memref<128xi32, #tpu.memory_space<vmem>>
        %dma_start3A_22 = arith.constant 0 : i32
        %dma_start3A_23 = tpu.memref_slice %arg8[%dma_start3A_22] : memref<10240xf32, #tpu.memory_space<vmem_shared>> -> memref<10240xf32, #tpu.memory_space<vmem_shared>>
        tpu.enqueue_indirect_dma source(%arg7 : memref<128xf32, #tpu.memory_space<vmem>>) target(%dma_start3A_23 : memref<10240xf32, #tpu.memory_space<vmem_shared>>) offsets(%dma_start3A_21 : memref<128xi32, #tpu.memory_space<vmem>>) semaphore(%run_scoped3A : memref<!tpu.dma_semaphore, #tpu.memory_space<semaphore_mem>>) {add = true}
        %dma_wait3A = arith.constant 0 : i32
        %dma_wait3A_24 = tpu.memref_slice %arg6[%add3A_19, %dma_wait3A] : memref<80x128xi32, #tpu.memory_space<vmem>> -> memref<1x128xi32, #tpu.memory_space<vmem>>
        %dma_wait3A_25 = tpu.memref_squeeze %dma_wait3A_24 : memref<1x128xi32, #tpu.memory_space<vmem>> -> memref<128xi32, #tpu.memory_space<vmem>>
        %dma_wait3A_26 = arith.constant 0 : i32
        %dma_wait3A_27 = tpu.memref_slice %arg8[%dma_wait3A_26] : memref<10240xf32, #tpu.memory_space<vmem_shared>> -> memref<10240xf32, #tpu.memory_space<vmem_shared>>
        tpu.wait_indirect_dma semaphore(%run_scoped3A : memref<!tpu.dma_semaphore, #tpu.memory_space<semaphore_mem>>) src(%arg7 : memref<128xf32, #tpu.memory_space<vmem>>) dst(%dma_wait3A_27 : memref<10240xf32, #tpu.memory_space<vmem_shared>>)
        tpu.yield
      }) : () -> ()
    }
    %scan3A_8 = arith.constant 80 : i32
    %barrier3A_9 = arith.constant 0 : index
    tpu.barrier barrier_id(%barrier3A_9)
    %mul3A_10 = arith.constant 10240 : i32
    %mul3A_11 = arith.muli %arg0, %mul3A_10 : i32
    %mul3A_12 = arith.constant 640 : i32
    %mul3A_13 = arith.muli %arg1, %mul3A_12 : i32
    %add3A_14 = arith.addi %mul3A_11, %mul3A_13 : i32
    "tpu.region"() ({
      %run_scoped3A = tpu.sem_alloc : memref<!tpu.dma_semaphore, #tpu.memory_space<semaphore_mem>>
      %dma_start3A = tpu.memref_slice %arg5[%add3A_14] : memref<20480xf32, #tpu.memory_space<hbm>> -> memref<640xf32, #tpu.memory_space<hbm>>
      %dma_start3A_15 = tpu.memref_slice %arg8[%mul3A_2] : memref<10240xf32, #tpu.memory_space<vmem_shared>> -> memref<640xf32, #tpu.memory_space<vmem_shared>>
      tpu.enqueue_dma source(%dma_start3A_15 : memref<640xf32, #tpu.memory_space<vmem_shared>>) target(%dma_start3A : memref<640xf32, #tpu.memory_space<hbm>>) target_semaphore(%run_scoped3A : memref<!tpu.dma_semaphore, #tpu.memory_space<semaphore_mem>>)
      %dma_wait3A = tpu.memref_slice %arg5[%add3A_14] : memref<20480xf32, #tpu.memory_space<hbm>> -> memref<640xf32, #tpu.memory_space<hbm>>
      %dma_wait3A_16 = tpu.memref_slice %arg8[%mul3A_2] : memref<10240xf32, #tpu.memory_space<vmem_shared>> -> memref<640xf32, #tpu.memory_space<vmem_shared>>
      tpu.wait_dma2 semaphore(%run_scoped3A : memref<!tpu.dma_semaphore, #tpu.memory_space<semaphore_mem>>) src(%dma_wait3A_16 : memref<640xf32, #tpu.memory_space<vmem_shared>>) dst(%dma_wait3A : memref<640xf32, #tpu.memory_space<hbm>>)
      tpu.yield
    }) : () -> ()
    return
  }
}

module attributes {stable_mosaic.version = 14 : i64} {
  func.func @_mm0_body(%arg0: i32, %arg1: memref<1000x128xf32, #tpu.memory_space<vmem>>, %arg2: memref<128x128xf32, #tpu.memory_space<vmem>>, %arg3: memref<1000x1xf32, #tpu.memory_space<vmem>>, %arg4: memref<1000x1xf32, #tpu.memory_space<vmem>>, %arg5: memref<1000x128xf32, #tpu.memory_space<vmem>>, %arg6: memref<1000x1xf32, #tpu.memory_space<vmem>>) attributes {dimension_semantics = [#tpu.dimension_semantics<arbitrary>], iteration_bounds = array<i64: 10>, scalar_prefetch = 0 : i64, scratch_operands = 0 : i64, tpu.core_type = #tpu.core_type<tc>, window_params = [{transform_indices = @transform_0, window_bounds = array<i64: 1000, 128>}, {pipeline_mode = #tpu.pipeline_mode<synchronous>, transform_indices = @transform_1, window_bounds = array<i64: 128, 128>}, {transform_indices = @transform_2, window_bounds = array<i64: 1000, 1>}, {transform_indices = @transform_3, window_bounds = array<i64: 1000, 1>}, {transform_indices = @transform_4, window_bounds = array<i64: 1000, 128>}, {transform_indices = @transform_5, window_bounds = array<i64: 1000, 1>}]} {
    %get3A = arith.constant 0 : index
    %get3A_0 = arith.constant 0 : index
    %get3A_1 = vector.load %arg3[%get3A, %get3A_0] : memref<1000x1xf32, #tpu.memory_space<vmem>>, vector<1000x1xf32>
    %add3A = arith.constant 1.000000e+00 : f32
    %add3A_2 = vector.broadcast %add3A : f32 to vector<1000x1xf32>
    %add3A_3 = arith.addf %add3A_2, %get3A_1 : vector<1000x1xf32>
    %get3A_4 = arith.constant 0 : index
    %get3A_5 = arith.constant 0 : index
    %get3A_6 = vector.load %arg4[%get3A_4, %get3A_5] : memref<1000x1xf32, #tpu.memory_space<vmem>>, vector<1000x1xf32>
    %add3A_7 = arith.addf %add3A_3, %get3A_6 : vector<1000x1xf32>
    %rsqrt3A = math.rsqrt %add3A_7 : vector<1000x1xf32>
    %get3A_8 = arith.constant 0 : index
    %get3A_9 = arith.constant 0 : index
    %get3A_10 = vector.load %arg1[%get3A_8, %get3A_9] : memref<1000x128xf32, #tpu.memory_space<vmem>>, vector<1000x128xf32>
    %get3A_11 = arith.constant 0 : index
    %get3A_12 = arith.constant 0 : index
    %get3A_13 = vector.load %arg2[%get3A_11, %get3A_12] : memref<128x128xf32, #tpu.memory_space<vmem>>, vector<128x128xf32>
    %dot_general3A = arith.constant dense<0.000000e+00> : vector<1000x128xf32>
    %dot_general3A_14 = tpu.matmul %get3A_10, %get3A_13, %dot_general3A {dimension_numbers = #tpu.dot_dimension_numbers<[1], [0], [0], [1], [0, 0, 1, 1], [], []>, transpose_lhs_hint = false} : vector<1000x128xf32>, vector<128x128xf32>, vector<1000x128xf32> -> vector<1000x128xf32>
    %mul3A = vector.broadcast %rsqrt3A : vector<1000x1xf32> to vector<1000x128xf32>
    %mul3A_15 = arith.mulf %dot_general3A_14, %mul3A : vector<1000x128xf32>
    %swap3A = arith.constant 0 : index
    %swap3A_16 = arith.constant 0 : index
    %swap3A_17 = vector.load %arg5[%swap3A, %swap3A_16] : memref<1000x128xf32, #tpu.memory_space<vmem>>, vector<1000x128xf32>
    tpu.vector_store %arg5[%swap3A, %swap3A_16], %mul3A_15 {strides = array<i32>} : memref<1000x128xf32, #tpu.memory_space<vmem>>, vector<1000x128xf32>,
    %swap3A_18 = arith.constant 0 : index
    %swap3A_19 = arith.constant 0 : index
    %swap3A_20 = vector.load %arg6[%swap3A_18, %swap3A_19] : memref<1000x1xf32, #tpu.memory_space<vmem>>, vector<1000x1xf32>
    tpu.vector_store %arg6[%swap3A_18, %swap3A_19], %rsqrt3A {strides = array<i32>} : memref<1000x1xf32, #tpu.memory_space<vmem>>, vector<1000x1xf32>,
    return
  }
  func.func @transform_0(%arg0: i32) -> (i32, i32) {
    %c0_i32 = arith.constant 0 : i32
    %c0_i32_0 = arith.constant 0 : i32
    return %arg0, %c0_i32 : i32, i32
  }
  func.func @transform_1(%arg0: i32) -> (i32, i32) {
    %c0_i32 = arith.constant 0 : i32
    %c0_i32_0 = arith.constant 0 : i32
    %c0_i32_1 = arith.constant 0 : i32
    return %c0_i32, %c0_i32_0 : i32, i32
  }
  func.func @transform_2(%arg0: i32) -> (i32, i32) {
    %c0_i32 = arith.constant 0 : i32
    %c0_i32_0 = arith.constant 0 : i32
    return %arg0, %c0_i32 : i32, i32
  }
  func.func @transform_3(%arg0: i32) -> (i32, i32) {
    %c0_i32 = arith.constant 0 : i32
    %c0_i32_0 = arith.constant 0 : i32
    return %arg0, %c0_i32 : i32, i32
  }
  func.func @transform_4(%arg0: i32) -> (i32, i32) {
    %c0_i32 = arith.constant 0 : i32
    %c0_i32_0 = arith.constant 0 : i32
    return %arg0, %c0_i32 : i32, i32
  }
  func.func @transform_5(%arg0: i32) -> (i32, i32) {
    %c0_i32 = arith.constant 0 : i32
    %c0_i32_0 = arith.constant 0 : i32
    return %arg0, %c0_i32 : i32, i32
  }
}

module attributes {stable_mosaic.version = 14 : i64} {
  func.func @_stats_body(%arg0: i32, %arg1: memref<1000x128xf32, #tpu.memory_space<vmem>>, %arg2: memref<1000x128xf32, #tpu.memory_space<vmem>>, %arg3: memref<1000x128xf32, #tpu.memory_space<vmem>>, %arg4: memref<1000x1xf32, #tpu.memory_space<vmem>>, %arg5: memref<1x128xf32, #tpu.memory_space<vmem>>, %arg6: memref<1x1x1000xi32, #tpu.memory_space<vmem>>, %arg7: memref<1000x128xf32, #tpu.memory_space<vmem>>, %arg8: memref<1x128xf32, #tpu.memory_space<vmem>>, %arg9: memref<1x128xf32, #tpu.memory_space<vmem>>, %arg10: memref<256x128xf32, #tpu.memory_space<vmem>>, %arg11: memref<256x1xf32, #tpu.memory_space<vmem>>) attributes {dimension_semantics = [#tpu.dimension_semantics<arbitrary>], iteration_bounds = array<i64: 10>, scalar_prefetch = 0 : i64, scratch_operands = 0 : i64, tpu.core_type = #tpu.core_type<tc>, window_params = [{transform_indices = @transform_0, window_bounds = array<i64: 1000, 128>}, {transform_indices = @transform_1, window_bounds = array<i64: 1000, 128>}, {transform_indices = @transform_2, window_bounds = array<i64: 1000, 128>}, {transform_indices = @transform_3, window_bounds = array<i64: 1000, 1>}, {pipeline_mode = #tpu.pipeline_mode<synchronous>, transform_indices = @transform_4, window_bounds = array<i64: 1, 128>}, {transform_indices = @transform_5, window_bounds = array<i64: 1, 1, 1000>}, {transform_indices = @transform_6, window_bounds = array<i64: 1000, 128>}, {pipeline_mode = #tpu.pipeline_mode<synchronous>, transform_indices = @transform_7, window_bounds = array<i64: 1, 128>}, {pipeline_mode = #tpu.pipeline_mode<synchronous>, transform_indices = @transform_8, window_bounds = array<i64: 1, 128>}, {pipeline_mode = #tpu.pipeline_mode<synchronous>, transform_indices = @transform_9, window_bounds = array<i64: 256, 128>}, {pipeline_mode = #tpu.pipeline_mode<synchronous>, transform_indices = @transform_10, window_bounds = array<i64: 256, 1>}]} {
    %get3A = arith.constant 0 : index
    %get3A_0 = arith.constant 0 : index
    %get3A_1 = vector.load %arg4[%get3A, %get3A_0] : memref<1000x1xf32, #tpu.memory_space<vmem>>, vector<1000x1xf32>
    %get3A_2 = arith.constant 0 : index
    %get3A_3 = arith.constant 0 : index
    %get3A_4 = vector.load %arg1[%get3A_2, %get3A_3] : memref<1000x128xf32, #tpu.memory_space<vmem>>, vector<1000x128xf32>
    %get3A_5 = arith.constant 0 : index
    %get3A_6 = arith.constant 0 : index
    %get3A_7 = vector.load %arg2[%get3A_5, %get3A_6] : memref<1000x128xf32, #tpu.memory_space<vmem>>, vector<1000x128xf32>
    %add3A = arith.addf %get3A_4, %get3A_7 : vector<1000x128xf32>
    %get3A_8 = arith.constant 0 : index
    %get3A_9 = arith.constant 0 : index
    %get3A_10 = vector.load %arg3[%get3A_8, %get3A_9] : memref<1000x128xf32, #tpu.memory_space<vmem>>, vector<1000x128xf32>
    %add3A_11 = arith.addf %add3A, %get3A_10 : vector<1000x128xf32>
    %mul3A = vector.broadcast %get3A_1 : vector<1000x1xf32> to vector<1000x128xf32>
    %mul3A_12 = arith.mulf %mul3A, %add3A_11 : vector<1000x128xf32>
    %get3A_13 = arith.constant 0 : index
    %get3A_14 = arith.constant 0 : index
    %get3A_15 = vector.load %arg5[%get3A_13, %get3A_14] : memref<1x128xf32, #tpu.memory_space<vmem>>, vector<1x128xf32>
    %add3A_16 = vector.broadcast %get3A_15 : vector<1x128xf32> to vector<1000x128xf32>
    %add3A_17 = arith.addf %mul3A_12, %add3A_16 : vector<1000x128xf32>
    %tanh3A = math.tanh %add3A_17 : vector<1000x128xf32>
    %swap3A = arith.constant 0 : index
    %swap3A_18 = arith.constant 0 : index
    %swap3A_19 = vector.load %arg7[%swap3A, %swap3A_18] : memref<1000x128xf32, #tpu.memory_space<vmem>>, vector<1000x128xf32>
    tpu.vector_store %arg7[%swap3A, %swap3A_18], %tanh3A {strides = array<i32>} : memref<1000x128xf32, #tpu.memory_space<vmem>>, vector<1000x128xf32>,
    %eq3A = arith.constant 0 : i32
    %eq3A_20 = arith.cmpi eq, %arg0, %eq3A : i32
    %convert_element_type3A = arith.extui %eq3A_20 : i1 to i32
    %cond3A = arith.constant 0 : i32
    %cond3A_21 = arith.cmpi ne, %convert_element_type3A, %cond3A : i32
    scf.if %cond3A_21 {
      %broadcast_in_dim3A_68 = arith.constant 0.000000e+00 : f32
      %broadcast_in_dim3A_69 = vector.broadcast %broadcast_in_dim3A_68 : f32 to vector<1x128xf32>
      %swap3A_70 = arith.constant 0 : index
      %swap3A_71 = arith.constant 0 : index
      %swap3A_72 = vector.load %arg8[%swap3A_70, %swap3A_71] : memref<1x128xf32, #tpu.memory_space<vmem>>, vector<1x128xf32>
      tpu.vector_store %arg8[%swap3A_70, %swap3A_71], %broadcast_in_dim3A_69 {strides = array<i32>} : memref<1x128xf32, #tpu.memory_space<vmem>>, vector<1x128xf32>,
      %broadcast_in_dim3A_73 = arith.constant 0.000000e+00 : f32
      %broadcast_in_dim3A_74 = vector.broadcast %broadcast_in_dim3A_73 : f32 to vector<1x128xf32>
      %swap3A_75 = arith.constant 0 : index
      %swap3A_76 = arith.constant 0 : index
      %swap3A_77 = vector.load %arg9[%swap3A_75, %swap3A_76] : memref<1x128xf32, #tpu.memory_space<vmem>>, vector<1x128xf32>
      tpu.vector_store %arg9[%swap3A_75, %swap3A_76], %broadcast_in_dim3A_74 {strides = array<i32>} : memref<1x128xf32, #tpu.memory_space<vmem>>, vector<1x128xf32>,
      %broadcast_in_dim3A_78 = arith.constant 0.000000e+00 : f32
      %broadcast_in_dim3A_79 = vector.broadcast %broadcast_in_dim3A_78 : f32 to vector<256x128xf32>
      %swap3A_80 = arith.constant 0 : index
      %swap3A_81 = arith.constant 0 : index
      %swap3A_82 = vector.load %arg10[%swap3A_80, %swap3A_81] : memref<256x128xf32, #tpu.memory_space<vmem>>, vector<256x128xf32>
      tpu.vector_store %arg10[%swap3A_80, %swap3A_81], %broadcast_in_dim3A_79 {strides = array<i32>} : memref<256x128xf32, #tpu.memory_space<vmem>>, vector<256x128xf32>,
      %broadcast_in_dim3A_83 = arith.constant 0.000000e+00 : f32
      %broadcast_in_dim3A_84 = vector.broadcast %broadcast_in_dim3A_83 : f32 to vector<256x1xf32>
      %swap3A_85 = arith.constant 0 : index
      %swap3A_86 = arith.constant 0 : index
      %swap3A_87 = vector.load %arg11[%swap3A_85, %swap3A_86] : memref<256x1xf32, #tpu.memory_space<vmem>>, vector<256x1xf32>
      tpu.vector_store %arg11[%swap3A_85, %swap3A_86], %broadcast_in_dim3A_84 {strides = array<i32>} : memref<256x1xf32, #tpu.memory_space<vmem>>, vector<256x1xf32>,
    } else {
    }
    %iota3A = tpu.iota {dimensions = array<i32: 0>} : vector<256x1000xi32>
    %get3A_22 = arith.constant 0 : index
    %get3A_23 = arith.constant 0 : index
    %get3A_24 = arith.constant 0 : index
    %get3A_25 = vector.load %arg6[%get3A_22, %get3A_23, %get3A_24] : memref<1x1x1000xi32, #tpu.memory_space<vmem>>, vector<1x1x1000xi32>
    %get3A_26 = vector.shape_cast %get3A_25 : vector<1x1x1000xi32> to vector<1x1000xi32>
    %eq3A_27 = vector.broadcast %get3A_26 : vector<1x1000xi32> to vector<256x1000xi32>
    %eq3A_28 = arith.cmpi eq, %iota3A, %eq3A_27 : vector<256x1000xi32>
    %convert_element_type3A_29 = arith.extui %eq3A_28 : vector<256x1000xi1> to vector<256x1000xi32>
    %convert_element_type3A_30 = arith.sitofp %convert_element_type3A_29 : vector<256x1000xi32> to vector<256x1000xf32>
    %get3A_31 = arith.constant 0 : index
    %get3A_32 = arith.constant 0 : index
    %get3A_33 = vector.load %arg10[%get3A_31, %get3A_32] : memref<256x128xf32, #tpu.memory_space<vmem>>, vector<256x128xf32>
    %dot_general3A = arith.constant dense<0.000000e+00> : vector<256x128xf32>
    %dot_general3A_34 = tpu.matmul %convert_element_type3A_30, %tanh3A, %dot_general3A {dimension_numbers = #tpu.dot_dimension_numbers<[1], [0], [0], [1], [0, 0, 1, 1], [], []>, transpose_lhs_hint = false} : vector<256x1000xf32>, vector<1000x128xf32>, vector<256x128xf32> -> vector<256x128xf32>
    %add3A_35 = arith.addf %get3A_33, %dot_general3A_34 : vector<256x128xf32>
    %swap3A_36 = arith.constant 0 : index
    %swap3A_37 = arith.constant 0 : index
    %swap3A_38 = vector.load %arg10[%swap3A_36, %swap3A_37] : memref<256x128xf32, #tpu.memory_space<vmem>>, vector<256x128xf32>
    tpu.vector_store %arg10[%swap3A_36, %swap3A_37], %add3A_35 {strides = array<i32>} : memref<256x128xf32, #tpu.memory_space<vmem>>, vector<256x128xf32>,
    %get3A_39 = arith.constant 0 : index
    %get3A_40 = arith.constant 0 : index
    %get3A_41 = vector.load %arg11[%get3A_39, %get3A_40] : memref<256x1xf32, #tpu.memory_space<vmem>>, vector<256x1xf32>
    %reduce_sum3A = arith.constant dense<0.000000e+00> : vector<256xf32>
    %reduce_sum3A_42 = vector.multi_reduction <add>, %convert_element_type3A_30, %reduce_sum3A [1] : vector<256x1000xf32> to vector<256xf32>
    %broadcast_in_dim3A = vector.shape_cast %reduce_sum3A_42 : vector<256xf32> to vector<256x1xf32>
    %add3A_43 = arith.addf %get3A_41, %broadcast_in_dim3A : vector<256x1xf32>
    %swap3A_44 = arith.constant 0 : index
    %swap3A_45 = arith.constant 0 : index
    %swap3A_46 = vector.load %arg11[%swap3A_44, %swap3A_45] : memref<256x1xf32, #tpu.memory_space<vmem>>, vector<256x1xf32>
    tpu.vector_store %arg11[%swap3A_44, %swap3A_45], %add3A_43 {strides = array<i32>} : memref<256x1xf32, #tpu.memory_space<vmem>>, vector<256x1xf32>,
    %get3A_47 = arith.constant 0 : index
    %get3A_48 = arith.constant 0 : index
    %get3A_49 = vector.load %arg8[%get3A_47, %get3A_48] : memref<1x128xf32, #tpu.memory_space<vmem>>, vector<1x128xf32>
    %reduce_sum3A_50 = arith.constant dense<0.000000e+00> : vector<128xf32>
    %reduce_sum3A_51 = vector.multi_reduction <add>, %tanh3A, %reduce_sum3A_50 [0] : vector<1000x128xf32> to vector<128xf32>
    %broadcast_in_dim3A_52 = vector.shape_cast %reduce_sum3A_51 : vector<128xf32> to vector<1x128xf32>
    %add3A_53 = arith.addf %get3A_49, %broadcast_in_dim3A_52 : vector<1x128xf32>
    %swap3A_54 = arith.constant 0 : index
    %swap3A_55 = arith.constant 0 : index
    %swap3A_56 = vector.load %arg8[%swap3A_54, %swap3A_55] : memref<1x128xf32, #tpu.memory_space<vmem>>, vector<1x128xf32>
    tpu.vector_store %arg8[%swap3A_54, %swap3A_55], %add3A_53 {strides = array<i32>} : memref<1x128xf32, #tpu.memory_space<vmem>>, vector<1x128xf32>,
    %get3A_57 = arith.constant 0 : index
    %get3A_58 = arith.constant 0 : index
    %get3A_59 = vector.load %arg9[%get3A_57, %get3A_58] : memref<1x128xf32, #tpu.memory_space<vmem>>, vector<1x128xf32>
    %mul3A_60 = arith.mulf %tanh3A, %tanh3A : vector<1000x128xf32>
    %reduce_sum3A_61 = arith.constant dense<0.000000e+00> : vector<128xf32>
    %reduce_sum3A_62 = vector.multi_reduction <add>, %mul3A_60, %reduce_sum3A_61 [0] : vector<1000x128xf32> to vector<128xf32>
    %broadcast_in_dim3A_63 = vector.shape_cast %reduce_sum3A_62 : vector<128xf32> to vector<1x128xf32>
    %add3A_64 = arith.addf %get3A_59, %broadcast_in_dim3A_63 : vector<1x128xf32>
    %swap3A_65 = arith.constant 0 : index
    %swap3A_66 = arith.constant 0 : index
    %swap3A_67 = vector.load %arg9[%swap3A_65, %swap3A_66] : memref<1x128xf32, #tpu.memory_space<vmem>>, vector<1x128xf32>
    tpu.vector_store %arg9[%swap3A_65, %swap3A_66], %add3A_64 {strides = array<i32>} : memref<1x128xf32, #tpu.memory_space<vmem>>, vector<1x128xf32>,
    return
  }
  func.func @transform_0(%arg0: i32) -> (i32, i32) {
    %c0_i32 = arith.constant 0 : i32
    %c0_i32_0 = arith.constant 0 : i32
    return %arg0, %c0_i32 : i32, i32
  }
  func.func @transform_1(%arg0: i32) -> (i32, i32) {
    %c0_i32 = arith.constant 0 : i32
    %c0_i32_0 = arith.constant 0 : i32
    return %arg0, %c0_i32 : i32, i32
  }
  func.func @transform_2(%arg0: i32) -> (i32, i32) {
    %c0_i32 = arith.constant 0 : i32
    %c0_i32_0 = arith.constant 0 : i32
    return %arg0, %c0_i32 : i32, i32
  }
  func.func @transform_3(%arg0: i32) -> (i32, i32) {
    %c0_i32 = arith.constant 0 : i32
    %c0_i32_0 = arith.constant 0 : i32
    return %arg0, %c0_i32 : i32, i32
  }
  func.func @transform_4(%arg0: i32) -> (i32, i32) {
    %c0_i32 = arith.constant 0 : i32
    %c0_i32_0 = arith.constant 0 : i32
    %c0_i32_1 = arith.constant 0 : i32
    return %c0_i32, %c0_i32_0 : i32, i32
  }
  func.func @transform_5(%arg0: i32) -> (i32, i32, i32) {
    %c0_i32 = arith.constant 0 : i32
    %c0_i32_0 = arith.constant 0 : i32
    %c0_i32_1 = arith.constant 0 : i32
    return %arg0, %c0_i32, %c0_i32_0 : i32, i32, i32
  }
  func.func @transform_6(%arg0: i32) -> (i32, i32) {
    %c0_i32 = arith.constant 0 : i32
    %c0_i32_0 = arith.constant 0 : i32
    return %arg0, %c0_i32 : i32, i32
  }
  func.func @transform_7(%arg0: i32) -> (i32, i32) {
    %c0_i32 = arith.constant 0 : i32
    %c0_i32_0 = arith.constant 0 : i32
    %c0_i32_1 = arith.constant 0 : i32
    return %c0_i32, %c0_i32_0 : i32, i32
  }
  func.func @transform_8(%arg0: i32) -> (i32, i32) {
    %c0_i32 = arith.constant 0 : i32
    %c0_i32_0 = arith.constant 0 : i32
    %c0_i32_1 = arith.constant 0 : i32
    return %c0_i32, %c0_i32_0 : i32, i32
  }
  func.func @transform_9(%arg0: i32) -> (i32, i32) {
    %c0_i32 = arith.constant 0 : i32
    %c0_i32_0 = arith.constant 0 : i32
    %c0_i32_1 = arith.constant 0 : i32
    return %c0_i32, %c0_i32_0 : i32, i32
  }
  func.func @transform_10(%arg0: i32) -> (i32, i32) {
    %c0_i32 = arith.constant 0 : i32
    %c0_i32_0 = arith.constant 0 : i32
    %c0_i32_1 = arith.constant 0 : i32
    return %c0_i32, %c0_i32_0 : i32, i32
  }
}

module attributes {stable_mosaic.version = 14 : i64} {
  func.func @_mm1_body(%arg0: i32, %arg1: memref<1000x128xf32, #tpu.memory_space<vmem>>, %arg2: memref<1x128xf32, #tpu.memory_space<vmem>>, %arg3: memref<1x128xf32, #tpu.memory_space<vmem>>, %arg4: memref<1000x1xf32, #tpu.memory_space<vmem>>, %arg5: memref<128x128xf32, #tpu.memory_space<vmem>>, %arg6: memref<1x128xf32, #tpu.memory_space<vmem>>, %arg7: memref<1x128xf32, #tpu.memory_space<vmem>>, %arg8: memref<1000x128xf32, #tpu.memory_space<vmem>>) attributes {dimension_semantics = [#tpu.dimension_semantics<arbitrary>], iteration_bounds = array<i64: 10>, scalar_prefetch = 0 : i64, scratch_operands = 0 : i64, tpu.core_type = #tpu.core_type<tc>, window_params = [{transform_indices = @transform_0, window_bounds = array<i64: 1000, 128>}, {pipeline_mode = #tpu.pipeline_mode<synchronous>, transform_indices = @transform_1, window_bounds = array<i64: 1, 128>}, {pipeline_mode = #tpu.pipeline_mode<synchronous>, transform_indices = @transform_2, window_bounds = array<i64: 1, 128>}, {transform_indices = @transform_3, window_bounds = array<i64: 1000, 1>}, {pipeline_mode = #tpu.pipeline_mode<synchronous>, transform_indices = @transform_4, window_bounds = array<i64: 128, 128>}, {pipeline_mode = #tpu.pipeline_mode<synchronous>, transform_indices = @transform_5, window_bounds = array<i64: 1, 128>}, {pipeline_mode = #tpu.pipeline_mode<synchronous>, transform_indices = @transform_6, window_bounds = array<i64: 1, 128>}, {transform_indices = @transform_7, window_bounds = array<i64: 1000, 128>}]} {
    %get3A = arith.constant 0 : index
    %get3A_0 = arith.constant 0 : index
    %get3A_1 = vector.load %arg2[%get3A, %get3A_0] : memref<1x128xf32, #tpu.memory_space<vmem>>, vector<1x128xf32>
    %get3A_2 = arith.constant 0 : index
    %get3A_3 = arith.constant 0 : index
    %get3A_4 = vector.load %arg3[%get3A_2, %get3A_3] : memref<1x128xf32, #tpu.memory_space<vmem>>, vector<1x128xf32>
    %get3A_5 = arith.constant 0 : index
    %get3A_6 = arith.constant 0 : index
    %get3A_7 = vector.load %arg6[%get3A_5, %get3A_6] : memref<1x128xf32, #tpu.memory_space<vmem>>, vector<1x128xf32>
    %get3A_8 = arith.constant 0 : index
    %get3A_9 = arith.constant 0 : index
    %get3A_10 = vector.load %arg7[%get3A_8, %get3A_9] : memref<1x128xf32, #tpu.memory_space<vmem>>, vector<1x128xf32>
    %mul3A = arith.constant 9.99999974E-5 : f32
    %mul3A_11 = vector.broadcast %mul3A : f32 to vector<1x128xf32>
    %mul3A_12 = arith.mulf %get3A_1, %mul3A_11 : vector<1x128xf32>
    %mul3A_13 = arith.constant 9.99999974E-5 : f32
    %mul3A_14 = vector.broadcast %mul3A_13 : f32 to vector<1x128xf32>
    %mul3A_15 = arith.mulf %get3A_4, %mul3A_14 : vector<1x128xf32>
    %mul3A_16 = arith.mulf %mul3A_12, %mul3A_12 : vector<1x128xf32>
    %sub3A = arith.subf %mul3A_15, %mul3A_16 : vector<1x128xf32>
    %add3A = arith.constant 9.99999974E-6 : f32
    %add3A_17 = vector.broadcast %add3A : f32 to vector<1x128xf32>
    %add3A_18 = arith.addf %sub3A, %add3A_17 : vector<1x128xf32>
    %rsqrt3A = math.rsqrt %add3A_18 : vector<1x128xf32>
    %mul3A_19 = arith.mulf %get3A_7, %rsqrt3A : vector<1x128xf32>
    %mul3A_20 = arith.mulf %mul3A_12, %mul3A_19 : vector<1x128xf32>
    %sub3A_21 = arith.subf %get3A_10, %mul3A_20 : vector<1x128xf32>
    %get3A_22 = arith.constant 0 : index
    %get3A_23 = arith.constant 0 : index
    %get3A_24 = vector.load %arg1[%get3A_22, %get3A_23] : memref<1000x128xf32, #tpu.memory_space<vmem>>, vector<1000x128xf32>
    %mul3A_25 = vector.broadcast %mul3A_19 : vector<1x128xf32> to vector<1000x128xf32>
    %mul3A_26 = arith.mulf %get3A_24, %mul3A_25 : vector<1000x128xf32>
    %add3A_27 = vector.broadcast %sub3A_21 : vector<1x128xf32> to vector<1000x128xf32>
    %add3A_28 = arith.addf %mul3A_26, %add3A_27 : vector<1000x128xf32>
    %get3A_29 = arith.constant 0 : index
    %get3A_30 = arith.constant 0 : index
    %get3A_31 = vector.load %arg5[%get3A_29, %get3A_30] : memref<128x128xf32, #tpu.memory_space<vmem>>, vector<128x128xf32>
    %dot_general3A = arith.constant dense<0.000000e+00> : vector<1000x128xf32>
    %dot_general3A_32 = tpu.matmul %add3A_28, %get3A_31, %dot_general3A {dimension_numbers = #tpu.dot_dimension_numbers<[1], [0], [0], [1], [0, 0, 1, 1], [], []>, transpose_lhs_hint = false} : vector<1000x128xf32>, vector<128x128xf32>, vector<1000x128xf32> -> vector<1000x128xf32>
    %get3A_33 = arith.constant 0 : index
    %get3A_34 = arith.constant 0 : index
    %get3A_35 = vector.load %arg4[%get3A_33, %get3A_34] : memref<1000x1xf32, #tpu.memory_space<vmem>>, vector<1000x1xf32>
    %mul3A_36 = vector.broadcast %get3A_35 : vector<1000x1xf32> to vector<1000x128xf32>
    %mul3A_37 = arith.mulf %dot_general3A_32, %mul3A_36 : vector<1000x128xf32>
    %swap3A = arith.constant 0 : index
    %swap3A_38 = arith.constant 0 : index
    %swap3A_39 = vector.load %arg8[%swap3A, %swap3A_38] : memref<1000x128xf32, #tpu.memory_space<vmem>>, vector<1000x128xf32>
    tpu.vector_store %arg8[%swap3A, %swap3A_38], %mul3A_37 {strides = array<i32>} : memref<1000x128xf32, #tpu.memory_space<vmem>>, vector<1000x128xf32>,
    return
  }
  func.func @transform_0(%arg0: i32) -> (i32, i32) {
    %c0_i32 = arith.constant 0 : i32
    %c0_i32_0 = arith.constant 0 : i32
    return %arg0, %c0_i32 : i32, i32
  }
  func.func @transform_1(%arg0: i32) -> (i32, i32) {
    %c0_i32 = arith.constant 0 : i32
    %c0_i32_0 = arith.constant 0 : i32
    %c0_i32_1 = arith.constant 0 : i32
    return %c0_i32, %c0_i32_0 : i32, i32
  }
  func.func @transform_2(%arg0: i32) -> (i32, i32) {
    %c0_i32 = arith.constant 0 : i32
    %c0_i32_0 = arith.constant 0 : i32
    %c0_i32_1 = arith.constant 0 : i32
    return %c0_i32, %c0_i32_0 : i32, i32
  }
  func.func @transform_3(%arg0: i32) -> (i32, i32) {
    %c0_i32 = arith.constant 0 : i32
    %c0_i32_0 = arith.constant 0 : i32
    return %arg0, %c0_i32 : i32, i32
  }
  func.func @transform_4(%arg0: i32) -> (i32, i32) {
    %c0_i32 = arith.constant 0 : i32
    %c0_i32_0 = arith.constant 0 : i32
    %c0_i32_1 = arith.constant 0 : i32
    return %c0_i32, %c0_i32_0 : i32, i32
  }
  func.func @transform_5(%arg0: i32) -> (i32, i32) {
    %c0_i32 = arith.constant 0 : i32
    %c0_i32_0 = arith.constant 0 : i32
    %c0_i32_1 = arith.constant 0 : i32
    return %c0_i32, %c0_i32_0 : i32, i32
  }
  func.func @transform_6(%arg0: i32) -> (i32, i32) {
    %c0_i32 = arith.constant 0 : i32
    %c0_i32_0 = arith.constant 0 : i32
    %c0_i32_1 = arith.constant 0 : i32
    return %c0_i32, %c0_i32_0 : i32, i32
  }
  func.func @transform_7(%arg0: i32) -> (i32, i32) {
    %c0_i32 = arith.constant 0 : i32
    %c0_i32_0 = arith.constant 0 : i32
    return %arg0, %c0_i32 : i32, i32
  }
}

module attributes {stable_mosaic.version = 14 : i64} {
  func.func @_fin_body(%arg0: memref<1x128xf32, #tpu.memory_space<vmem>>, %arg1: memref<1x128xf32, #tpu.memory_space<vmem>>, %arg2: memref<256x128xf32, #tpu.memory_space<vmem>>, %arg3: memref<256x1xf32, #tpu.memory_space<vmem>>, %arg4: memref<1x128xf32, #tpu.memory_space<vmem>>, %arg5: memref<1x128xf32, #tpu.memory_space<vmem>>, %arg6: memref<256x128xf32, #tpu.memory_space<vmem>>) attributes {dimension_semantics = [], scalar_prefetch = 0 : i64, scratch_operands = 0 : i64, tpu.core_type = #tpu.core_type<tc>} {
    %get3A = arith.constant 0 : index
    %get3A_0 = arith.constant 0 : index
    %get3A_1 = vector.load %arg0[%get3A, %get3A_0] : memref<1x128xf32, #tpu.memory_space<vmem>>, vector<1x128xf32>
    %get3A_2 = arith.constant 0 : index
    %get3A_3 = arith.constant 0 : index
    %get3A_4 = vector.load %arg1[%get3A_2, %get3A_3] : memref<1x128xf32, #tpu.memory_space<vmem>>, vector<1x128xf32>
    %get3A_5 = arith.constant 0 : index
    %get3A_6 = arith.constant 0 : index
    %get3A_7 = vector.load %arg4[%get3A_5, %get3A_6] : memref<1x128xf32, #tpu.memory_space<vmem>>, vector<1x128xf32>
    %get3A_8 = arith.constant 0 : index
    %get3A_9 = arith.constant 0 : index
    %get3A_10 = vector.load %arg5[%get3A_8, %get3A_9] : memref<1x128xf32, #tpu.memory_space<vmem>>, vector<1x128xf32>
    %mul3A = arith.constant 9.99999974E-5 : f32
    %mul3A_11 = vector.broadcast %mul3A : f32 to vector<1x128xf32>
    %mul3A_12 = arith.mulf %get3A_1, %mul3A_11 : vector<1x128xf32>
    %mul3A_13 = arith.constant 9.99999974E-5 : f32
    %mul3A_14 = vector.broadcast %mul3A_13 : f32 to vector<1x128xf32>
    %mul3A_15 = arith.mulf %get3A_4, %mul3A_14 : vector<1x128xf32>
    %mul3A_16 = arith.mulf %mul3A_12, %mul3A_12 : vector<1x128xf32>
    %sub3A = arith.subf %mul3A_15, %mul3A_16 : vector<1x128xf32>
    %add3A = arith.constant 9.99999974E-6 : f32
    %add3A_17 = vector.broadcast %add3A : f32 to vector<1x128xf32>
    %add3A_18 = arith.addf %sub3A, %add3A_17 : vector<1x128xf32>
    %rsqrt3A = math.rsqrt %add3A_18 : vector<1x128xf32>
    %mul3A_19 = arith.mulf %get3A_7, %rsqrt3A : vector<1x128xf32>
    %mul3A_20 = arith.mulf %mul3A_12, %mul3A_19 : vector<1x128xf32>
    %sub3A_21 = arith.subf %get3A_10, %mul3A_20 : vector<1x128xf32>
    %get3A_22 = arith.constant 0 : index
    %get3A_23 = arith.constant 0 : index
    %get3A_24 = vector.load %arg3[%get3A_22, %get3A_23] : memref<256x1xf32, #tpu.memory_space<vmem>>, vector<256x1xf32>
    %get3A_25 = arith.constant 0 : index
    %get3A_26 = arith.constant 0 : index
    %get3A_27 = vector.load %arg2[%get3A_25, %get3A_26] : memref<256x128xf32, #tpu.memory_space<vmem>>, vector<256x128xf32>
    %mul3A_28 = vector.broadcast %mul3A_19 : vector<1x128xf32> to vector<256x128xf32>
    %mul3A_29 = arith.mulf %get3A_27, %mul3A_28 : vector<256x128xf32>
    %mul3A_30 = vector.broadcast %get3A_24 : vector<256x1xf32> to vector<256x128xf32>
    %mul3A_31 = vector.broadcast %sub3A_21 : vector<1x128xf32> to vector<256x128xf32>
    %mul3A_32 = arith.mulf %mul3A_30, %mul3A_31 : vector<256x128xf32>
    %add3A_33 = arith.addf %mul3A_29, %mul3A_32 : vector<256x128xf32>
    %max3A = arith.constant 1.000000e+00 : f32
    %max3A_34 = vector.broadcast %max3A : f32 to vector<256x1xf32>
    %max3A_35 = arith.maximumf %get3A_24, %max3A_34 : vector<256x1xf32>
    %div3A = vector.broadcast %max3A_35 : vector<256x1xf32> to vector<256x128xf32>
    %div3A_36 = arith.divf %add3A_33, %div3A : vector<256x128xf32>
    %swap3A = arith.constant 0 : index
    %swap3A_37 = arith.constant 0 : index
    %swap3A_38 = vector.load %arg6[%swap3A, %swap3A_37] : memref<256x128xf32, #tpu.memory_space<vmem>>, vector<256x128xf32>
    tpu.vector_store %arg6[%swap3A, %swap3A_37], %div3A_36 {strides = array<i32>} : memref<256x128xf32, #tpu.memory_space<vmem>>, vector<256x128xf32>,
    return
  }
}

module attributes {stable_mosaic.version = 14 : i64} {
  func.func @_stats1_body(%arg0: i32, %arg1: memref<1000x128xf32, #tpu.memory_space<vmem>>, %arg2: memref<1000x128xf32, #tpu.memory_space<vmem>>, %arg3: memref<1000x128xf32, #tpu.memory_space<vmem>>, %arg4: memref<1000x1xf32, #tpu.memory_space<vmem>>, %arg5: memref<1x128xf32, #tpu.memory_space<vmem>>, %arg6: memref<1x1x1000xi32, #tpu.memory_space<vmem>>, %arg7: memref<1x128xf32, #tpu.memory_space<vmem>>, %arg8: memref<1x128xf32, #tpu.memory_space<vmem>>, %arg9: memref<256x128xf32, #tpu.memory_space<vmem>>) attributes {dimension_semantics = [#tpu.dimension_semantics<arbitrary>], iteration_bounds = array<i64: 10>, scalar_prefetch = 0 : i64, scratch_operands = 0 : i64, tpu.core_type = #tpu.core_type<tc>, window_params = [{transform_indices = @transform_0, window_bounds = array<i64: 1000, 128>}, {transform_indices = @transform_1, window_bounds = array<i64: 1000, 128>}, {transform_indices = @transform_2, window_bounds = array<i64: 1000, 128>}, {transform_indices = @transform_3, window_bounds = array<i64: 1000, 1>}, {pipeline_mode = #tpu.pipeline_mode<synchronous>, transform_indices = @transform_4, window_bounds = array<i64: 1, 128>}, {transform_indices = @transform_5, window_bounds = array<i64: 1, 1, 1000>}, {pipeline_mode = #tpu.pipeline_mode<synchronous>, transform_indices = @transform_6, window_bounds = array<i64: 1, 128>}, {pipeline_mode = #tpu.pipeline_mode<synchronous>, transform_indices = @transform_7, window_bounds = array<i64: 1, 128>}, {pipeline_mode = #tpu.pipeline_mode<synchronous>, transform_indices = @transform_8, window_bounds = array<i64: 256, 128>}]} {
    %get3A = arith.constant 0 : index
    %get3A_0 = arith.constant 0 : index
    %get3A_1 = vector.load %arg4[%get3A, %get3A_0] : memref<1000x1xf32, #tpu.memory_space<vmem>>, vector<1000x1xf32>
    %get3A_2 = arith.constant 0 : index
    %get3A_3 = arith.constant 0 : index
    %get3A_4 = vector.load %arg1[%get3A_2, %get3A_3] : memref<1000x128xf32, #tpu.memory_space<vmem>>, vector<1000x128xf32>
    %get3A_5 = arith.constant 0 : index
    %get3A_6 = arith.constant 0 : index
    %get3A_7 = vector.load %arg2[%get3A_5, %get3A_6] : memref<1000x128xf32, #tpu.memory_space<vmem>>, vector<1000x128xf32>
    %add3A = arith.addf %get3A_4, %get3A_7 : vector<1000x128xf32>
    %get3A_8 = arith.constant 0 : index
    %get3A_9 = arith.constant 0 : index
    %get3A_10 = vector.load %arg3[%get3A_8, %get3A_9] : memref<1000x128xf32, #tpu.memory_space<vmem>>, vector<1000x128xf32>
    %add3A_11 = arith.addf %add3A, %get3A_10 : vector<1000x128xf32>
    %mul3A = vector.broadcast %get3A_1 : vector<1000x1xf32> to vector<1000x128xf32>
    %mul3A_12 = arith.mulf %mul3A, %add3A_11 : vector<1000x128xf32>
    %get3A_13 = arith.constant 0 : index
    %get3A_14 = arith.constant 0 : index
    %get3A_15 = vector.load %arg5[%get3A_13, %get3A_14] : memref<1x128xf32, #tpu.memory_space<vmem>>, vector<1x128xf32>
    %add3A_16 = vector.broadcast %get3A_15 : vector<1x128xf32> to vector<1000x128xf32>
    %add3A_17 = arith.addf %mul3A_12, %add3A_16 : vector<1000x128xf32>
    %tanh3A = math.tanh %add3A_17 : vector<1000x128xf32>
    %eq3A = arith.constant 0 : i32
    %eq3A_18 = arith.cmpi eq, %arg0, %eq3A : i32
    %convert_element_type3A = arith.extui %eq3A_18 : i1 to i32
    %cond3A = arith.constant 0 : i32
    %cond3A_19 = arith.cmpi ne, %convert_element_type3A, %cond3A : i32
    scf.if %cond3A_19 {
      %broadcast_in_dim3A_55 = arith.constant 0.000000e+00 : f32
      %broadcast_in_dim3A_56 = vector.broadcast %broadcast_in_dim3A_55 : f32 to vector<1x128xf32>
      %swap3A_57 = arith.constant 0 : index
      %swap3A_58 = arith.constant 0 : index
      %swap3A_59 = vector.load %arg7[%swap3A_57, %swap3A_58] : memref<1x128xf32, #tpu.memory_space<vmem>>, vector<1x128xf32>
      tpu.vector_store %arg7[%swap3A_57, %swap3A_58], %broadcast_in_dim3A_56 {strides = array<i32>} : memref<1x128xf32, #tpu.memory_space<vmem>>, vector<1x128xf32>,
      %broadcast_in_dim3A_60 = arith.constant 0.000000e+00 : f32
      %broadcast_in_dim3A_61 = vector.broadcast %broadcast_in_dim3A_60 : f32 to vector<1x128xf32>
      %swap3A_62 = arith.constant 0 : index
      %swap3A_63 = arith.constant 0 : index
      %swap3A_64 = vector.load %arg8[%swap3A_62, %swap3A_63] : memref<1x128xf32, #tpu.memory_space<vmem>>, vector<1x128xf32>
      tpu.vector_store %arg8[%swap3A_62, %swap3A_63], %broadcast_in_dim3A_61 {strides = array<i32>} : memref<1x128xf32, #tpu.memory_space<vmem>>, vector<1x128xf32>,
      %broadcast_in_dim3A_65 = arith.constant 0.000000e+00 : f32
      %broadcast_in_dim3A_66 = vector.broadcast %broadcast_in_dim3A_65 : f32 to vector<256x128xf32>
      %swap3A_67 = arith.constant 0 : index
      %swap3A_68 = arith.constant 0 : index
      %swap3A_69 = vector.load %arg9[%swap3A_67, %swap3A_68] : memref<256x128xf32, #tpu.memory_space<vmem>>, vector<256x128xf32>
      tpu.vector_store %arg9[%swap3A_67, %swap3A_68], %broadcast_in_dim3A_66 {strides = array<i32>} : memref<256x128xf32, #tpu.memory_space<vmem>>, vector<256x128xf32>,
    } else {
    }
    %iota3A = tpu.iota {dimensions = array<i32: 0>} : vector<256x1000xi32>
    %get3A_20 = arith.constant 0 : index
    %get3A_21 = arith.constant 0 : index
    %get3A_22 = arith.constant 0 : index
    %get3A_23 = vector.load %arg6[%get3A_20, %get3A_21, %get3A_22] : memref<1x1x1000xi32, #tpu.memory_space<vmem>>, vector<1x1x1000xi32>
    %get3A_24 = vector.shape_cast %get3A_23 : vector<1x1x1000xi32> to vector<1x1000xi32>
    %eq3A_25 = vector.broadcast %get3A_24 : vector<1x1000xi32> to vector<256x1000xi32>
    %eq3A_26 = arith.cmpi eq, %iota3A, %eq3A_25 : vector<256x1000xi32>
    %convert_element_type3A_27 = arith.extui %eq3A_26 : vector<256x1000xi1> to vector<256x1000xi32>
    %convert_element_type3A_28 = arith.sitofp %convert_element_type3A_27 : vector<256x1000xi32> to vector<256x1000xf32>
    %get3A_29 = arith.constant 0 : index
    %get3A_30 = arith.constant 0 : index
    %get3A_31 = vector.load %arg9[%get3A_29, %get3A_30] : memref<256x128xf32, #tpu.memory_space<vmem>>, vector<256x128xf32>
    %dot_general3A = arith.constant dense<0.000000e+00> : vector<256x128xf32>
    %dot_general3A_32 = tpu.matmul %convert_element_type3A_28, %tanh3A, %dot_general3A {dimension_numbers = #tpu.dot_dimension_numbers<[1], [0], [0], [1], [0, 0, 1, 1], [], []>, transpose_lhs_hint = false} : vector<256x1000xf32>, vector<1000x128xf32>, vector<256x128xf32> -> vector<256x128xf32>
    %add3A_33 = arith.addf %get3A_31, %dot_general3A_32 : vector<256x128xf32>
    %swap3A = arith.constant 0 : index
    %swap3A_34 = arith.constant 0 : index
    %swap3A_35 = vector.load %arg9[%swap3A, %swap3A_34] : memref<256x128xf32, #tpu.memory_space<vmem>>, vector<256x128xf32>
    tpu.vector_store %arg9[%swap3A, %swap3A_34], %add3A_33 {strides = array<i32>} : memref<256x128xf32, #tpu.memory_space<vmem>>, vector<256x128xf32>,
    %get3A_36 = arith.constant 0 : index
    %get3A_37 = arith.constant 0 : index
    %get3A_38 = vector.load %arg7[%get3A_36, %get3A_37] : memref<1x128xf32, #tpu.memory_space<vmem>>, vector<1x128xf32>
    %reduce_sum3A = arith.constant dense<0.000000e+00> : vector<128xf32>
    %reduce_sum3A_39 = vector.multi_reduction <add>, %tanh3A, %reduce_sum3A [0] : vector<1000x128xf32> to vector<128xf32>
    %broadcast_in_dim3A = vector.shape_cast %reduce_sum3A_39 : vector<128xf32> to vector<1x128xf32>
    %add3A_40 = arith.addf %get3A_38, %broadcast_in_dim3A : vector<1x128xf32>
    %swap3A_41 = arith.constant 0 : index
    %swap3A_42 = arith.constant 0 : index
    %swap3A_43 = vector.load %arg7[%swap3A_41, %swap3A_42] : memref<1x128xf32, #tpu.memory_space<vmem>>, vector<1x128xf32>
    tpu.vector_store %arg7[%swap3A_41, %swap3A_42], %add3A_40 {strides = array<i32>} : memref<1x128xf32, #tpu.memory_space<vmem>>, vector<1x128xf32>,
    %get3A_44 = arith.constant 0 : index
    %get3A_45 = arith.constant 0 : index
    %get3A_46 = vector.load %arg8[%get3A_44, %get3A_45] : memref<1x128xf32, #tpu.memory_space<vmem>>, vector<1x128xf32>
    %mul3A_47 = arith.mulf %tanh3A, %tanh3A : vector<1000x128xf32>
    %reduce_sum3A_48 = arith.constant dense<0.000000e+00> : vector<128xf32>
    %reduce_sum3A_49 = vector.multi_reduction <add>, %mul3A_47, %reduce_sum3A_48 [0] : vector<1000x128xf32> to vector<128xf32>
    %broadcast_in_dim3A_50 = vector.shape_cast %reduce_sum3A_49 : vector<128xf32> to vector<1x128xf32>
    %add3A_51 = arith.addf %get3A_46, %broadcast_in_dim3A_50 : vector<1x128xf32>
    %swap3A_52 = arith.constant 0 : index
    %swap3A_53 = arith.constant 0 : index
    %swap3A_54 = vector.load %arg8[%swap3A_52, %swap3A_53] : memref<1x128xf32, #tpu.memory_space<vmem>>, vector<1x128xf32>
    tpu.vector_store %arg8[%swap3A_52, %swap3A_53], %add3A_51 {strides = array<i32>} : memref<1x128xf32, #tpu.memory_space<vmem>>, vector<1x128xf32>,
    return
  }
  func.func @transform_0(%arg0: i32) -> (i32, i32) {
    %c0_i32 = arith.constant 0 : i32
    %c0_i32_0 = arith.constant 0 : i32
    return %arg0, %c0_i32 : i32, i32
  }
  func.func @transform_1(%arg0: i32) -> (i32, i32) {
    %c0_i32 = arith.constant 0 : i32
    %c0_i32_0 = arith.constant 0 : i32
    return %arg0, %c0_i32 : i32, i32
  }
  func.func @transform_2(%arg0: i32) -> (i32, i32) {
    %c0_i32 = arith.constant 0 : i32
    %c0_i32_0 = arith.constant 0 : i32
    return %arg0, %c0_i32 : i32, i32
  }
  func.func @transform_3(%arg0: i32) -> (i32, i32) {
    %c0_i32 = arith.constant 0 : i32
    %c0_i32_0 = arith.constant 0 : i32
    return %arg0, %c0_i32 : i32, i32
  }
  func.func @transform_4(%arg0: i32) -> (i32, i32) {
    %c0_i32 = arith.constant 0 : i32
    %c0_i32_0 = arith.constant 0 : i32
    %c0_i32_1 = arith.constant 0 : i32
    return %c0_i32, %c0_i32_0 : i32, i32
  }
  func.func @transform_5(%arg0: i32) -> (i32, i32, i32) {
    %c0_i32 = arith.constant 0 : i32
    %c0_i32_0 = arith.constant 0 : i32
    %c0_i32_1 = arith.constant 0 : i32
    return %arg0, %c0_i32, %c0_i32_0 : i32, i32, i32
  }
  func.func @transform_6(%arg0: i32) -> (i32, i32) {
    %c0_i32 = arith.constant 0 : i32
    %c0_i32_0 = arith.constant 0 : i32
    %c0_i32_1 = arith.constant 0 : i32
    return %c0_i32, %c0_i32_0 : i32, i32
  }
  func.func @transform_7(%arg0: i32) -> (i32, i32) {
    %c0_i32 = arith.constant 0 : i32
    %c0_i32_0 = arith.constant 0 : i32
    %c0_i32_1 = arith.constant 0 : i32
    return %c0_i32, %c0_i32_0 : i32, i32
  }
  func.func @transform_8(%arg0: i32) -> (i32, i32) {
    %c0_i32 = arith.constant 0 : i32
    %c0_i32_0 = arith.constant 0 : i32
    %c0_i32_1 = arith.constant 0 : i32
    return %c0_i32, %c0_i32_0 : i32, i32
  }
}

</mosaic_0001>

<sc_bundles>
// kernel: kernel.11.cloned.1.call-start
scs
__scs_entry_jumppad:
0x0: {  	(pc) =	sbr.rel $0x88, $3  }
0x1: {  	(tag) =	ssettag $0x0;
	lr =	simm.s32 $0x1  }
0x2: {  	[smem:$0x3F96] =	sst lr;
	_ =	strace $0xD0000000  }
0x3: {  	_ = 	snop  }
0x4: {  	_ = 	snop  }
0x5: {  	_ = 	snop  }
0x6: {  	_ = 	snop  }
0x7: {  	_ = 	snop  }
__scs_overlays_trampoline_lowered:
0x8: {  	[smem:$0x3FA5] =	sst s0  }
0x9: {  	[smem:$0x3FA6] =	sst s1  }
0xa: {  	[smem:$0x3FA7] =	sst s2  }
0xb: {  	[smem:$0x3FA8] =	sst s3  }
0xc: {  	[smem:$0x3FA9] =	sst s4  }
0xd: {  	[smem:$0x3FAA] =	sst s5  }
0xe: {  	[smem:$0x3FAB] =	sst s6  }
0xf: {  	[smem:$0x3FAC] =	sst s7  }
0x10: {  	[smem:$0x3FAD] =	sst s8  }
0x11: {  	[smem:$0x3FAE] =	sst s9;
	s0 =	simm.s32 @!p0 $0x0  }
0x12: {  	s1 =	sld [smem:$0x3F94];
	s0 =	simm.s32 @p0 $0x1  }
0x13: {  	[smem:$0x3FAF] =	sst s0;
	s0 =	simm.s32 @!p1 $0x0  }
0x14: {  	s2 =	sld [smem:$0x3F93];
	s0 =	simm.s32 @p1 $0x1  }
0x15: {  	[smem:$0x3FB0] =	sst s0;
	s0 =	simm.s32 @!p2 $0x0  }
0x16: {  	s3 =	sld [smem:$0x3FDB];
	s0 =	simm.s32 @p2 $0x1  }
0x17: {  	s4 =	simm.s32 $0x1BF5;
	[smem:$0x3FB2] =	sst s0  }
0x18: {  	s0 =	sld [smem:$0x3F95];
	_ =	swait.ge [sflag:s4], $0x0  }
0x19: {  	s7 =	sld [smem:$0x3F96]  }
0x1a: {  	s8 =	sadd.s32 $0xFFFFE003, lr  }
0x1b: {  	s9 =	sadd.s32 $0xFFFFFEF7, lr;
	s5 =	simm.s32 $0xFFFFFFFF;
	p2 =	slt.u32 s8, $0xFFFFF086  }
0x1c: {  	p1 =	slt.u32 s9, $0xF7A;
	s5 =	simm.s32 @!p2 $0x0  }
0x1d: {  	s5 =	simm.s32 @p1 $0x1;
	p0 =	seq.s32 s7, s2  }
0x1e: {  	s7 =	smul.u32 @!p0 $0xF7A, s2;
	p2 =	seq.s32 @!p0 s5, $0x0  }
0x1f: {  	s9 =	smul.u32 $0xF7A, s1;
	s8 =	simm.s32 @!p0 $0x1BF5;
	p2 =	por !p2, p0  }
0x20: {  	[sflag:s8] =	ssyncset.s32 @!p0 $0xFFFFF086;
	s6 =	sadd.s32 @!p0 s3, s7;
	s7 =	simm.s32 @!p0 $0x108  }
0x21: {  	s3 =	sadd.s32 s3, s9;
	s6 =	sadd.s32 @!p0 $0x88, s6;
	s7 =	simm.s32 @p2 $0x1082  }
0x22: {  	[simem:s7], [sflag:s8] =	dma.local @!p0 [hbm:s6], $0xF7A  }
0x23: {  	s9 =	sor.u32 $0xD0000000, s2;
	s6 =	simm.s32 $0x108;
	_ =	swait.ge @!p0 [sflag:s8], $0x0  }
0x24: {  	s3 =	sadd.s32 $0x88, s3;
	s6 =	simm.s32 @!p1 $0x1082;
	[sflag:s4] =	ssyncset.s32 $0xFFFFF086  }
0x25: {  	[simem:s6], [sflag:s4] =	dma.local [hbm:s3], $0xF7A  }
0x26: {  	[smem:$0x3F96] =	sst s1;
	(tag) =	ssettag s2;
	_ =	strace s9  }
0x27: {  	s1 =	sld [smem:$0x3FA6]  }
0x28: {  	s2 =	sld [smem:$0x3FA7]  }
0x29: {  	s4 =	sld [smem:$0x3FA9]  }
0x2a: {  	p0 =	seq.s32 s5, $0x0;
	s5 =	sld [smem:$0x3FAA]  }
0x2b: {  	s6 =	sld [smem:$0x3FAB]  }
0x2c: {  	s7 =	sld [smem:$0x3FAC]  }
0x2d: {  	s3 =	simm.s32 $0x108;
	s8 =	sld [smem:$0x3FAD]  }
0x2e: {  	s3 =	simm.s32 @!p0 $0x1082;
	s9 =	sld [smem:$0x3FAE]  }
0x2f: {  	lr =	sadd.s32 s0, s3;
	s0 =	sld [smem:$0x3FA5]  }
0x30: {  	s3 =	sld [smem:$0x3FA8]  }
0x31: {  	[smem:$0x3FB1] =	sst s10  }
0x32: {  	s10 =	sld [smem:$0x3FAF];
	_ =	sdelay $0x3  }
0x33: {  	p0 =	seq.s32 s10, $0x1;
	s10 =	sld [smem:$0x3FB1];
	_ =	sdelay $0x3  }
0x34: {  	[smem:$0x3FB1] =	sst s10  }
0x35: {  	s10 =	sld [smem:$0x3FB0];
	_ =	sdelay $0x3  }
0x36: {  	p1 =	seq.s32 s10, $0x1;
	s10 =	sld [smem:$0x3FB1];
	_ =	sdelay $0x3  }
0x37: {  	[smem:$0x3FB1] =	sst s10  }
0x38: {  	s10 =	sld [smem:$0x3FB2]  }
0x39: {  	_ = 	snop;
	(pc) =	sbr.ind lr, $3  }
0x3a: {  	_ = 	snop  }
0x3b: {  	_ = 	snop  }
0x3c: {  	p2 =	seq.s32 s10, $0x1;
	s10 =	sld [smem:$0x3FB1]  }
0x3d: {  	_ =	shalt  }
0x3e: {  	_ =	shalt  }
0x3f: {  	_ =	shalt  }
0x40: {  	_ =	shalt  }
0x41: {  	_ =	shalt  }
0x42: {  	_ =	shalt  }
0x43: {  	_ =	shalt  }
0x44: {  	_ =	shalt  }
0x45: {  	_ =	shalt  }
0x46: {  	_ =	shalt  }
0x47: {  	_ =	shalt  }
0x48: {  	_ =	shalt  }
0x49: {  	_ =	shalt  }
0x4a: {  	_ =	shalt  }
0x4b: {  	_ =	shalt  }
0x4c: {  	_ =	shalt  }
0x4d: {  	_ =	shalt  }
0x4e: {  	_ =	shalt  }
0x4f: {  	_ =	shalt  }
0x50: {  	_ =	shalt  }
0x51: {  	_ =	shalt  }
0x52: {  	_ =	shalt  }
0x53: {  	_ =	shalt  }
0x54: {  	_ =	shalt  }
0x55: {  	_ =	shalt  }
0x56: {  	_ =	shalt  }
0x57: {  	_ =	shalt  }
0x58: {  	_ =	shalt  }
0x59: {  	_ =	shalt  }
0x5a: {  	_ =	shalt  }
0x5b: {  	_ =	shalt  }
0x5c: {  	_ =	shalt  }
0x5d: {  	_ =	shalt  }
0x5e: {  	_ =	shalt  }
0x5f: {  	_ =	shalt  }
0x60: {  	_ =	shalt  }
0x61: {  	_ =	shalt  }
0x62: {  	_ =	shalt  }
0x63: {  	_ =	shalt  }
0x64: {  	_ =	shalt  }
0x65: {  	_ =	shalt  }
0x66: {  	_ =	shalt  }
0x67: {  	_ =	shalt  }
0x68: {  	_ =	shalt  }
0x69: {  	_ =	shalt  }
0x6a: {  	_ =	shalt  }
0x6b: {  	_ =	shalt  }
0x6c: {  	_ =	shalt  }
0x6d: {  	_ =	shalt  }
0x6e: {  	_ =	shalt  }
0x6f: {  	_ =	shalt  }
0x70: {  	_ =	shalt  }
0x71: {  	_ =	shalt  }
0x72: {  	_ =	shalt  }
0x73: {  	_ =	shalt  }
0x74: {  	_ =	shalt  }
0x75: {  	_ =	shalt  }
0x76: {  	_ =	shalt  }
0x77: {  	_ =	shalt  }
0x78: {  	_ =	shalt  }
0x79: {  	_ =	shalt  }
0x7a: {  	_ =	shalt  }
0x7b: {  	_ =	shalt  }
0x7c: {  	_ =	shalt  }
0x7d: {  	_ =	shalt  }
0x7e: {  	_ =	shalt  }
0x7f: {  	_ =	shalt  }
0x80: {  	_ =	shalt  }
0x81: {  	_ =	shalt  }
0x82: {  	_ =	shalt  }
0x83: {  	_ =	shalt  }
0x84: {  	_ =	shalt  }
0x85: {  	_ =	shalt  }
0x86: {  	_ =	shalt  }
0x87: {  	_ =	shalt  }
.Lfunc_end0:
.L_simem_size_0:
called_computation_lowered:
.L_overlay_start_0:
0x88: {  	s2 =	sld [smem:$0x3FD9]  }
0x89: {  	s3 =	sld [smem:$0x3FFE];
	_ =	sdelay $0x1  }
0x8a: {  	s1 =	srdreg.scid  }
0x8b: {  	s0 =	sand.u32 $0x1, s1  }
0x8c: {  	s14 =	sshll.u32 s0, $0xA;
	s2 =	sadd.s32 s3, s2  }
0x8d: {  	s2 =	sadd.s32 s2, s14  }
0x8e: {  	[smem:$0x3FBD] =	sst s2  }
0x8f: {  	_ = 	snop  }
0x90: {  	s2 =	sld [smem:$0x3FD0];
	_ =	sdelay $0x2  }
0x91: {  	s15 =	simm.s32 $0xA;
	s4 =	simm.s32 $0x10  }
0x92: {  	[smem:s4], [sflag:s15] =	dma.local [hbm:s2], $0x1  }
0x93: {  	_ =	swait.eq [sflag:s15], $0x1  }
0x94: {  	[sflag:s15] =	ssyncset.done $0x0  }
0x95: {  	s16 =	sld [smem:$0x10];
	[sflag:s15] =	ssyncadd.s32 $0xFFFFFFFF  }
0x96: {  	s17 =	sld [smem:$0x11];
	(tm) =	ssettm $0x1  }
0x97: {  	s18 =	sld [smem:$0x3FFB];
	_ =	sdelay $0x3  }
0x98: {  	_ =	strace s18  }
0x99: {  	s4 =	sld [smem:$0x3FFC];
	_ =	sdelay $0x3  }
0x9a: {  	_ =	strace s4  }
0x9b: {  	s4 =	sld [smem:$0x3FFD];
	_ =	sdelay $0x3  }
0x9c: {  	_ =	strace s4  }
0x9d: {  	_ =	strace $0x8FFFFFFF  }
0x9e: {  	s19 =	sld [smem:$0x3FDB];
	_ =	sdelay $0x1  }
0x9f: {  	s5 =	simm.s32 $_scs_section_size  }
0xa0: {  	s6 =	simm.s32 $_size__tile_overlayer_lowered;
	s7 =	simm.s32 $_tile_overlayer_lowered  }
0xa1: {  	s22 =	simm.s32 $0x1BFF;
	s21 =	sshll.u32 s7, $0x1;
	s4 =	sadd.s32 s5, s19  }
0xa2: {  	s8 =	simm.s32 $0x0;
	s20 =	sshll.u32 s6, $0x1;
	s6 =	sadd.s32 s21, s4  }
0xa3: {  	[timem:s8], [sflag:s22] =	dma.local [hbm:s6], s20  }
0xa4: {  	_ =	swait.ge [sflag:s22], s20  }
0xa5: {  	s5 =	ssub.s32 $0x0, s20;
	[sflag:s22] =	ssyncset.done $0x0  }
0xa6: {  	[sflag:s22] =	ssyncadd.s32 s5;
	_ =	sdelay $0x1  }
0xa7: {  	s23 =	simm.s32 $0x1B8B  }
0xa8: {  	_ =	swait.ge [sflag:s23], $0x1  }
0xa9: {  	[sflag:s23] =	ssyncset.done $0x0  }
0xaa: {  	s25 =	simm.s32 $0x1B8E;
	s24 =	sld [smem:$0x3FFE];
	[sflag:s23] =	ssyncadd.s32 $0xFFFFFFFF  }
0xab: {  	s26 =	simm.s32 $execute0_lowered;
	[smem:$0x3FD2] =	sst s25  }
0xac: {  	s6 =	sshll.u32 s26, $0x1;
	_ =	strace $0x80000046;
	[dreg:$0x1] =	wrdreg $0xFFFFFFFF  }
0xad: {  	s28 =	simm.s32 $_size_execute0_lowered;
	s4 =	sadd.s32 s4, s6;
	[dreg:$0x0] =	wrdreg $0x0  }
0xae: {  	s6 =	sshll.u32 s28, $0x1;
	[dreg:$0x2] =	wrdreg s4  }
0xaf: {  	[dreg:$0x3] =	wrdreg s6  }
0xb0: {  	[dreg:$0x4] =	wrdreg $0xC0  }
0xb1: {  	_ =	task [dreg:s8], $0x5FFFF  }
0xb2: {  	[dreg:$0x1] =	wrdreg $0xFFFFFFFF  }
0xb3: {  	[dreg:$0x0] =	wrdreg $0x60  }
0xb4: {  	[dreg:$0x2] =	wrdreg s24  }
0xb5: {  	[dreg:$0x3] =	wrdreg s16  }
0xb6: {  	[dreg:$0x4] =	wrdreg s17  }
0xb7: {  	[dreg:$0x5] =	wrdreg $0x28800  }
0xb8: {  	[dreg:$0x6] =	wrdreg $0x9  }
0xb9: {  	_ =	task.clear_ibuf [dreg:s8], $0x7FFFF;
	_ =	strace $0x90000046  }
0xba: {  	s29 =	simm.s32 $0x9;
	_ =	strace $0x80000048  }
0xbb: {  	_ =	swait.ge [sflag:s29], $0x1  }
0xbc: {  	[sflag:s29] =	ssyncadd.s32 $0xFFFFFFFF  }
0xbd: {  	_ =	strace $0x90000048  }
0xbe: {  	_ =	sfence  }
0xbf: {  	s30 =	sld [smem:$0x0];
	_ =	sdelay $0x2  }
0xc0: {  	s31 =	sshll.u32 s1, $0xD;
	s1 =	sshrl.u32 s1, $0x2  }
0xc1: {  	s3 =	sand.u32 $0x4000, s31;
	s1 =	sadd.s32 s1, s30  }
0xc2: {  	s0 =	sor.u32 s3, s0;
	s1 =	sshll.u32 s1, $0x11  }
0xc3: {  	s0 =	sor.u32 s1, s0  }
0xc4: {  	s0 =	sadd.s32 $0x8F2B, s0  }
0xc5: {  	[sflag:s0] =	ssyncadd.remote.s32 $0x1  }
0xc6: {  	_ =	sfence.sel $0xFFFF  }
0xc7: {  	[dreg:$0x0] =	wrdreg $0xFFFFFFFF;
	(pc) =	sbr.abs _section_cstart, $3  }
0xc8: {  	[dreg:$0x1] =	wrdreg $0xFFFFFFFF  }
0xc9: {  	_ =	task.clear_ibuf [dreg:s8], $0x2FFFF;
	_ =	strace $0x9FFFFFFF  }
0xca: {  	(tm) =	ssettm $0x7FFFFFFF  }
0xcb: {  	_ =	shalt  }
tec
execute0_lowered:
.L_overlay_start_1:
0x0: {  	(tag) =	ssettag $0x1  }
0x1: {  	s5 =	rddreg [dreg:$0x0]  }
0x2: {  	s1 =	rddreg [dreg:$0x1]  }
0x3: {  	s2 =	srdreg.scid;
	s8 =	rddreg [dreg:$0x2]  }
0x4: {  	s0 =	stileid.u32;
	s3 =	rddreg [dreg:$0x3];
	s4 =	simm.s32 $0x0  }
0x5: {  	s13 =	simm.s32 $0x80;
	s14 =	simm.s32 $0x0;
	s6 =	sand.u32 $0x1, s2  }
0x6: {  	s29 =	sshll.u32 s0, $0x1;
	s9 =	smul.u32 $0x280, s0;
	[smem:$0x7FF] =	sst s4  }
0x7: {  	s2 =	sor.u32 s6, s29;
	s10 =	ssub.s32 $0x2, s6;
	s6 =	smul.u32 $0x2800, s6  }
0x8: {  	s31 =	sshll.u32 s0, $0x6;
	s7 =	smul.u32 $0x500, s2;
	s2 =	rddreg [dreg:$0x4]  }
0x9: {  	_ =	strace $0x80000047;
	s11 =	sshrl.u32 s10, $0x1;
	s30 =	sadd.s32 s9, s3  }
0xa: {  	s10 =	ssub.s32 s10, s11;
	s6 =	sadd.s32 s9, s6;
	s11 =	simm.s32 $0x1  }
0xb: {  	s7 =	sadd.s32 s7, s5;
	s5 =	sadd.s32 $0x18A00, s5;
	s12 =	sshrl.u32 s6, $0x3  }
0xc: {  	s6 =	sor.u32 $0x1C01, s31;
	s9 =	smax.u32 s10, $0x1;
	s10 =	sshrl.u32 s30, $0x3  }
0xd: {  	s7 =	sadd.s32 $0xEA00, s7;
	s8 =	sadd.s32 s8, s12;
	s12 =	simm.s32 $0x2800  }
.LBB2_1:
0xe: {  	[spmem:s10], [sflag:s6] =	dma.local [hbm:s1], $0x50  }
0xf: {  	_ =	swait.ge [sflag:s11], $0x50  }
0x10: {  	[sflag:s11] =	ssyncset.done $0x0  }
0x11: {  	[sflag:s11] =	ssyncadd.s32 $0xFFFFFFB0  }
0x12: {  	[bflag:$0x0] =	sbarrier.arrive $0xFFFF  }
0x13: {  	[tilespmem:s4], [sflag:$0x1] =	stream.linear.gather [hbm4b:s7+s4], $0x2800, $0x38;
	[tilespmem:$0x2B00] =	vst v63  }
0x14: {  	_ =	swait.ge [sflag:s11], $0x2800  }
0x15: {  	[sflag:s11] =	ssyncset.done $0x0  }
0x16: {  	[sflag:s11] =	ssyncadd.s32 $0xFFFFD800  }
0x17: {  	[tilespmem:s12], [sflag:$0x1] =	stream.linear.gather [hbm4b:s5+s4], $0x80, $0x38;
	[tilespmem:$0x2B00] =	vst v63  }
0x18: {  	_ =	swait.ge [sflag:s11], $0x80  }
0x19: {  	[sflag:s11] =	ssyncset.done $0x0  }
0x1a: {  	s15 =	simm.s32 $0x0;
	[sflag:s11] =	ssyncadd.s32 $0xFFFFFF80  }
0x1b: {  	[spmem:s3] =	stream.indirect.scatter.add.f32 [tilespmem:s12], [sflag:$0x1], $0x1, s15, s13, $0xb8;
	[tilespmem:$0x2B00] =	vst v63  }
0x1c: {  	_ =	swait.ge [sflag:s11], $0x80  }
0x1d: {  	s15 =	simm.s32 $0x200;
	[sflag:s11] =	ssyncset.done $0x0  }
.LBB2_2:
0x1e: {  	s16 =	sshra.s32 s15, $0x2;
	[sflag:s11] =	ssyncadd.s32 $0xFFFFFF80;
	p0 =	sne.s32 s15, $0x9E00  }
0x1f: {  	[spmem:s3] =	stream.indirect.scatter.add.f32 [tilespmem:s12], [sflag:$0x1], $0x1, s16, s13, $0xb8;
	[tilespmem:$0x2B00] =	vst v63  }
.Ltmp0:
0x20: {  	_ = 	snop;
	(pc) =	sbr.rel @p0 .LBB2_2-.Ltmp0, $4  }
0x21: {  	_ = 	snop  }
0x22: {  	s15 =	sadd.s32 $0x200, s15  }
0x23: {  	_ =	swait.ge [sflag:s11], $0x80  }
0x24: {  	[sflag:s11] =	ssyncset.done $0x0  }
0x25: {  	s14 =	sadd.s32 $0x1, s14  }
0x26: {  	[sflag:s11] =	ssyncadd.s32 $0xFFFFFF80;
	p0 =	sne.s32 s14, s9  }
.Ltmp1:
0x27: {  	[bflag:$0x0] =	sbarrier.arrive $0xFFFF;
	(pc) =	sbr.rel @p0 .LBB2_1-.Ltmp1, $4  }
0x28: {  	[hbm:s8], [sflag:s6] =	dma.local [spmem:s10], $0x50  }
0x29: {  	_ =	swait.ge [sflag:s11], $0x50  }
0x2a: {  	[sflag:s11] =	ssyncset.done $0x0  }
0x2b: {  	[sflag:s11] =	ssyncadd.s32 $0xFFFFFFB0  }
0x2c: {  	_ =	sfence.sel $0x180000  }
0x2d: {  	[bflag:$0x0] =	sbarrier.arrive $0xFFFF  }
0x2e: {  	p0 =	sne.s32 s0, $0x0;
	_ =	strace $0x90000047  }
0x2f: {  	s0 =	sadd.s32 @!p0 $0x100000, s2;
	[bflag:$0x2] =	sbarrier.arrive $0xFFFF  }
0x30: {  	[sflag:s0] =	ssyncadd.tile.s32 @!p0 $0x1;
	_ =	shalt  }
.Lfunc_end2:
_tile_overlayer_lowered:
.L_overlay_start_2:
0x31: {  	(tag) =	ssettag $0x2  }
0x32: {  	s0 =	rddreg [dreg:$0x0];
	s2 =	stileid.u32  }
0x33: {  	s1 =	rddreg [dreg:$0x1];
	p0 =	sne.s32 s2, $0x0  }
0x34: {  	s3 =	rddreg [dreg:$0x2];
	[bflag:$0x3] =	sbarrier.arrive $0xFFFF;
	s2 =	simm.s32 @!p0 $0x1C01  }
0x35: {  	[timem:s3], [sflag:s2] =	dma.local @!p0 [hbm:s0], s1  }
0x36: {  	s0 =	simm.s32 @!p0 $0x1  }
0x37: {  	_ =	swait.ge @!p0 [sflag:s0], s1  }
0x38: {  	s1 =	ssub.s32 @!p0 $0x0, s1;
	[sflag:s0] =	ssyncset.done @!p0 $0x0  }
0x39: {  	[sflag:s0] =	ssyncadd.s32 @!p0 s1  }
0x3a: {  	[bflag:$0x3] =	sbarrier.arrive $0xFFFF  }
0x3b: {  	_ =	shalt  }

// kernel: kernel.14.cloned.1.call-start
scs
__scs_entry_jumppad:
0x0: {  	(pc) =	sbr.rel $0x88, $3  }
0x1: {  	(tag) =	ssettag $0x0;
	lr =	simm.s32 $0x1  }
0x2: {  	[smem:$0x3F96] =	sst lr;
	_ =	strace $0xD0000000  }
0x3: {  	_ = 	snop  }
0x4: {  	_ = 	snop  }
0x5: {  	_ = 	snop  }
0x6: {  	_ = 	snop  }
0x7: {  	_ = 	snop  }
__scs_overlays_trampoline_lowered:
0x8: {  	[smem:$0x3FA5] =	sst s0  }
0x9: {  	[smem:$0x3FA6] =	sst s1  }
0xa: {  	[smem:$0x3FA7] =	sst s2  }
0xb: {  	[smem:$0x3FA8] =	sst s3  }
0xc: {  	[smem:$0x3FA9] =	sst s4  }
0xd: {  	[smem:$0x3FAA] =	sst s5  }
0xe: {  	[smem:$0x3FAB] =	sst s6  }
0xf: {  	[smem:$0x3FAC] =	sst s7  }
0x10: {  	[smem:$0x3FAD] =	sst s8  }
0x11: {  	[smem:$0x3FAE] =	sst s9;
	s0 =	simm.s32 @!p0 $0x0  }
0x12: {  	s1 =	sld [smem:$0x3F94];
	s0 =	simm.s32 @p0 $0x1  }
0x13: {  	[smem:$0x3FAF] =	sst s0;
	s0 =	simm.s32 @!p1 $0x0  }
0x14: {  	s2 =	sld [smem:$0x3F93];
	s0 =	simm.s32 @p1 $0x1  }
0x15: {  	[smem:$0x3FB0] =	sst s0;
	s0 =	simm.s32 @!p2 $0x0  }
0x16: {  	s3 =	sld [smem:$0x3FDB];
	s0 =	simm.s32 @p2 $0x1  }
0x17: {  	s4 =	simm.s32 $0x1BF5;
	[smem:$0x3FB2] =	sst s0  }
0x18: {  	s0 =	sld [smem:$0x3F95];
	_ =	swait.ge [sflag:s4], $0x0  }
0x19: {  	s7 =	sld [smem:$0x3F96]  }
0x1a: {  	s8 =	sadd.s32 $0xFFFFE003, lr  }
0x1b: {  	s9 =	sadd.s32 $0xFFFFFEF7, lr;
	s5 =	simm.s32 $0xFFFFFFFF;
	p2 =	slt.u32 s8, $0xFFFFF086  }
0x1c: {  	p1 =	slt.u32 s9, $0xF7A;
	s5 =	simm.s32 @!p2 $0x0  }
0x1d: {  	s5 =	simm.s32 @p1 $0x1;
	p0 =	seq.s32 s7, s2  }
0x1e: {  	s7 =	smul.u32 @!p0 $0xF7A, s2;
	p2 =	seq.s32 @!p0 s5, $0x0  }
0x1f: {  	s9 =	smul.u32 $0xF7A, s1;
	s8 =	simm.s32 @!p0 $0x1BF5;
	p2 =	por !p2, p0  }
0x20: {  	[sflag:s8] =	ssyncset.s32 @!p0 $0xFFFFF086;
	s6 =	sadd.s32 @!p0 s3, s7;
	s7 =	simm.s32 @!p0 $0x108  }
0x21: {  	s3 =	sadd.s32 s3, s9;
	s6 =	sadd.s32 @!p0 $0x88, s6;
	s7 =	simm.s32 @p2 $0x1082  }
0x22: {  	[simem:s7], [sflag:s8] =	dma.local @!p0 [hbm:s6], $0xF7A  }
0x23: {  	s9 =	sor.u32 $0xD0000000, s2;
	s6 =	simm.s32 $0x108;
	_ =	swait.ge @!p0 [sflag:s8], $0x0  }
0x24: {  	s3 =	sadd.s32 $0x88, s3;
	s6 =	simm.s32 @!p1 $0x1082;
	[sflag:s4] =	ssyncset.s32 $0xFFFFF086  }
0x25: {  	[simem:s6], [sflag:s4] =	dma.local [hbm:s3], $0xF7A  }
0x26: {  	[smem:$0x3F96] =	sst s1;
	(tag) =	ssettag s2;
	_ =	strace s9  }
0x27: {  	s1 =	sld [smem:$0x3FA6]  }
0x28: {  	s2 =	sld [smem:$0x3FA7]  }
0x29: {  	s4 =	sld [smem:$0x3FA9]  }
0x2a: {  	p0 =	seq.s32 s5, $0x0;
	s5 =	sld [smem:$0x3FAA]  }
0x2b: {  	s6 =	sld [smem:$0x3FAB]  }
0x2c: {  	s7 =	sld [smem:$0x3FAC]  }
0x2d: {  	s3 =	simm.s32 $0x108;
	s8 =	sld [smem:$0x3FAD]  }
0x2e: {  	s3 =	simm.s32 @!p0 $0x1082;
	s9 =	sld [smem:$0x3FAE]  }
0x2f: {  	lr =	sadd.s32 s0, s3;
	s0 =	sld [smem:$0x3FA5]  }
0x30: {  	s3 =	sld [smem:$0x3FA8]  }
0x31: {  	[smem:$0x3FB1] =	sst s10  }
0x32: {  	s10 =	sld [smem:$0x3FAF];
	_ =	sdelay $0x3  }
0x33: {  	p0 =	seq.s32 s10, $0x1;
	s10 =	sld [smem:$0x3FB1];
	_ =	sdelay $0x3  }
0x34: {  	[smem:$0x3FB1] =	sst s10  }
0x35: {  	s10 =	sld [smem:$0x3FB0];
	_ =	sdelay $0x3  }
0x36: {  	p1 =	seq.s32 s10, $0x1;
	s10 =	sld [smem:$0x3FB1];
	_ =	sdelay $0x3  }
0x37: {  	[smem:$0x3FB1] =	sst s10  }
0x38: {  	s10 =	sld [smem:$0x3FB2]  }
0x39: {  	_ = 	snop;
	(pc) =	sbr.ind lr, $3  }
0x3a: {  	_ = 	snop  }
0x3b: {  	_ = 	snop  }
0x3c: {  	p2 =	seq.s32 s10, $0x1;
	s10 =	sld [smem:$0x3FB1]  }
0x3d: {  	_ =	shalt  }
0x3e: {  	_ =	shalt  }
0x3f: {  	_ =	shalt  }
0x40: {  	_ =	shalt  }
0x41: {  	_ =	shalt  }
0x42: {  	_ =	shalt  }
0x43: {  	_ =	shalt  }
0x44: {  	_ =	shalt  }
0x45: {  	_ =	shalt  }
0x46: {  	_ =	shalt  }
0x47: {  	_ =	shalt  }
0x48: {  	_ =	shalt  }
0x49: {  	_ =	shalt  }
0x4a: {  	_ =	shalt  }
0x4b: {  	_ =	shalt  }
0x4c: {  	_ =	shalt  }
0x4d: {  	_ =	shalt  }
0x4e: {  	_ =	shalt  }
0x4f: {  	_ =	shalt  }
0x50: {  	_ =	shalt  }
0x51: {  	_ =	shalt  }
0x52: {  	_ =	shalt  }
0x53: {  	_ =	shalt  }
0x54: {  	_ =	shalt  }
0x55: {  	_ =	shalt  }
0x56: {  	_ =	shalt  }
0x57: {  	_ =	shalt  }
0x58: {  	_ =	shalt  }
0x59: {  	_ =	shalt  }
0x5a: {  	_ =	shalt  }
0x5b: {  	_ =	shalt  }
0x5c: {  	_ =	shalt  }
0x5d: {  	_ =	shalt  }
0x5e: {  	_ =	shalt  }
0x5f: {  	_ =	shalt  }
0x60: {  	_ =	shalt  }
0x61: {  	_ =	shalt  }
0x62: {  	_ =	shalt  }
0x63: {  	_ =	shalt  }
0x64: {  	_ =	shalt  }
0x65: {  	_ =	shalt  }
0x66: {  	_ =	shalt  }
0x67: {  	_ =	shalt  }
0x68: {  	_ =	shalt  }
0x69: {  	_ =	shalt  }
0x6a: {  	_ =	shalt  }
0x6b: {  	_ =	shalt  }
0x6c: {  	_ =	shalt  }
0x6d: {  	_ =	shalt  }
0x6e: {  	_ =	shalt  }
0x6f: {  	_ =	shalt  }
0x70: {  	_ =	shalt  }
0x71: {  	_ =	shalt  }
0x72: {  	_ =	shalt  }
0x73: {  	_ =	shalt  }
0x74: {  	_ =	shalt  }
0x75: {  	_ =	shalt  }
0x76: {  	_ =	shalt  }
0x77: {  	_ =	shalt  }
0x78: {  	_ =	shalt  }
0x79: {  	_ =	shalt  }
0x7a: {  	_ =	shalt  }
0x7b: {  	_ =	shalt  }
0x7c: {  	_ =	shalt  }
0x7d: {  	_ =	shalt  }
0x7e: {  	_ =	shalt  }
0x7f: {  	_ =	shalt  }
0x80: {  	_ =	shalt  }
0x81: {  	_ =	shalt  }
0x82: {  	_ =	shalt  }
0x83: {  	_ =	shalt  }
0x84: {  	_ =	shalt  }
0x85: {  	_ =	shalt  }
0x86: {  	_ =	shalt  }
0x87: {  	_ =	shalt  }
.Lfunc_end0:
.L_simem_size_0:
called_computation.1_lowered:
.L_overlay_start_0:
0x88: {  	s2 =	sld [smem:$0x3FD9]  }
0x89: {  	s3 =	sld [smem:$0x3FFE];
	_ =	sdelay $0x1  }
0x8a: {  	s1 =	srdreg.scid  }
0x8b: {  	s0 =	sand.u32 $0x1, s1  }
0x8c: {  	s16 =	sshll.u32 s0, $0xA;
	s2 =	sadd.s32 s3, s2  }
0x8d: {  	s2 =	sadd.s32 s2, s16  }
0x8e: {  	[smem:$0x3FBD] =	sst s2  }
0x8f: {  	_ = 	snop  }
0x90: {  	(tm) =	ssettm $0x1  }
0x91: {  	s17 =	sld [smem:$0x3FFB];
	_ =	sdelay $0x3  }
0x92: {  	_ =	strace s17  }
0x93: {  	s2 =	sld [smem:$0x3FFC];
	_ =	sdelay $0x3  }
0x94: {  	_ =	strace s2  }
0x95: {  	s2 =	sld [smem:$0x3FFD];
	_ =	sdelay $0x3  }
0x96: {  	_ =	strace s2  }
0x97: {  	_ =	strace $0x8FFFFFFF  }
0x98: {  	s18 =	sld [smem:$0x3FDB];
	_ =	sdelay $0x1  }
0x99: {  	s19 =	simm.s32 $_scs_section_size  }
0x9a: {  	s4 =	simm.s32 $_size__tile_overlayer_lowered;
	s5 =	simm.s32 $_tile_overlayer_lowered  }
0x9b: {  	s22 =	simm.s32 $0x1BFF;
	s21 =	sshll.u32 s5, $0x1;
	s2 =	sadd.s32 s19, s18  }
0x9c: {  	s6 =	simm.s32 $0x0;
	s20 =	sshll.u32 s4, $0x1;
	s4 =	sadd.s32 s21, s2  }
0x9d: {  	[timem:s6], [sflag:s22] =	dma.local [hbm:s4], s20  }
0x9e: {  	_ =	swait.ge [sflag:s22], s20  }
0x9f: {  	s3 =	ssub.s32 $0x0, s20;
	[sflag:s22] =	ssyncset.done $0x0  }
0xa0: {  	[sflag:s22] =	ssyncadd.s32 s3;
	_ =	sdelay $0x1  }
0xa1: {  	s23 =	simm.s32 $0x1B8B  }
0xa2: {  	_ =	swait.ge [sflag:s23], $0x1  }
0xa3: {  	[sflag:s23] =	ssyncset.done $0x0  }
0xa4: {  	s25 =	simm.s32 $0x1B8E;
	s24 =	sld [smem:$0x3FFE];
	[sflag:s23] =	ssyncadd.s32 $0xFFFFFFFF  }
0xa5: {  	s26 =	simm.s32 $execute0_lowered;
	[smem:$0x3FD2] =	sst s25  }
0xa6: {  	s4 =	sshll.u32 s26, $0x1;
	_ =	strace $0x80000049;
	[dreg:$0x1] =	wrdreg $0xFFFFFFFF  }
0xa7: {  	s28 =	simm.s32 $_size_execute0_lowered;
	s2 =	sadd.s32 s2, s4;
	[dreg:$0x0] =	wrdreg $0x0  }
0xa8: {  	s4 =	sshll.u32 s28, $0x1;
	[dreg:$0x2] =	wrdreg s2  }
0xa9: {  	[dreg:$0x3] =	wrdreg s4  }
0xaa: {  	[dreg:$0x4] =	wrdreg $0xC0  }
0xab: {  	_ =	task [dreg:s6], $0x5FFFF  }
0xac: {  	[dreg:$0x1] =	wrdreg $0xFFFFFFFF  }
0xad: {  	[dreg:$0x0] =	wrdreg $0x60  }
0xae: {  	[dreg:$0x2] =	wrdreg s24  }
0xaf: {  	[dreg:$0x3] =	wrdreg $0xB8000  }
0xb0: {  	[dreg:$0x4] =	wrdreg $0x9  }
0xb1: {  	_ =	task.clear_ibuf [dreg:s6], $0x5FFFF;
	_ =	strace $0x90000049  }
0xb2: {  	s29 =	simm.s32 $0x9;
	_ =	strace $0x8000004B  }
0xb3: {  	_ =	swait.ge [sflag:s29], $0x1  }
0xb4: {  	[sflag:s29] =	ssyncadd.s32 $0xFFFFFFFF  }
0xb5: {  	_ =	strace $0x9000004B  }
0xb6: {  	_ =	sfence  }
0xb7: {  	s30 =	sld [smem:$0x0];
	_ =	sdelay $0x2  }
0xb8: {  	s31 =	sshll.u32 s1, $0xD;
	s1 =	sshrl.u32 s1, $0x2  }
0xb9: {  	s3 =	sand.u32 $0x4000, s31;
	s1 =	sadd.s32 s1, s30  }
0xba: {  	s0 =	sor.u32 s3, s0;
	s1 =	sshll.u32 s1, $0x11  }
0xbb: {  	s0 =	sor.u32 s1, s0  }
0xbc: {  	s0 =	sadd.s32 $0x8F2B, s0  }
0xbd: {  	[sflag:s0] =	ssyncadd.remote.s32 $0x1  }
0xbe: {  	_ =	sfence.sel $0xFFFF  }
0xbf: {  	[dreg:$0x0] =	wrdreg $0xFFFFFFFF;
	(pc) =	sbr.abs _section_cstart, $3  }
0xc0: {  	[dreg:$0x1] =	wrdreg $0xFFFFFFFF  }
0xc1: {  	_ =	task.clear_ibuf [dreg:s6], $0x2FFFF;
	_ =	strace $0x9FFFFFFF  }
0xc2: {  	(tm) =	ssettm $0x7FFFFFFF  }
0xc3: {  	_ =	shalt  }
tec
execute0_lowered:
.L_overlay_start_1:
0x0: {  	(tag) =	ssettag $0x1  }
0x1: {  	s6 =	rddreg [dreg:$0x0]  }
0x2: {  	s1 =	rddreg [dreg:$0x1];
	s2 =	srdreg.scid  }
0x3: {  	s0 =	rddreg [dreg:$0x2];
	s3 =	simm.s32 $0x0;
	s7 =	sand.u32 $0x1, s2  }
0x4: {  	s17 =	simm.s32 $0x0;
	s2 =	stileid.u32;
	s5 =	smul.u32 $0x13C000, s7  }
0x5: {  	[smem:$0x7FF] =	sst s3;
	s4 =	sadd.s32 $0x18A00, s6;
	s8 =	smul.u32 $0x13C00, s2  }
0x6: {  	s9 =	sadd.s32 $0x4A00, s6;
	s10 =	sadd.s32 $0xEA00, s6;
	s11 =	smul.u32 $0xA0, s2  }
0x7: {  	_ =	strace $0x8000004A;
	s25 =	ssub.s32 $0x2, s7;
	s13 =	smul.u32 $0x70, s7  }
0x8: {  	p0 =	seq.s32 s7, $0x0;
	s28 =	smul.u32 $0x4F000, s2;
	s15 =	sshll.u32 s2, $0x6  }
0x9: {  	s14 =	sshrl.u32 s25, $0x1;
	s15 =	sor.u32 $0x1C02, s15;
	s8 =	sadd.s32 s8, s5  }
0xa: {  	s5 =	sadd.s32 $0x66E00, s6;
	s26 =	sadd.s32 s13, s11;
	s29 =	ssub.s32 s25, s14  }
0xb: {  	s11 =	sshrl.u32 s28, $0x2;
	s13 =	simm.s32 $0x2;
	s8 =	sshrl.u32 s8, $0x3  }
0xc: {  	s30 =	sshll.u32 s26, $0x4;
	s12 =	sadd.s32 s8, s6;
	s6 =	simm.s32 $0x38  }
0xd: {  	s16 =	sadd.s32 s11, s1;
	s7 =	sadd.s32 s9, s30;
	s6 =	simm.s32 @!p0 $0x18  }
0xe: {  	s8 =	sadd.s32 s10, s30;
	s16 =	sshrl.u32 s16, $0x3;
	s31 =	sadd.s32 s6, s26  }
0xf: {  	s11 =	sadd.s32 $0x69600, s12;
	s12 =	smax.u32 s29, $0x1;
	s14 =	sshll.u32 s31, $0x4  }
0x10: {  	s9 =	sadd.s32 s9, s14;
	s10 =	sadd.s32 s10, s14;
	s14 =	simm.s32 $0x3800  }
.LBB2_1:
0x11: {  	[tilespmem:s3], [sflag:$0x2] =	stream.linear.gather [hbm4b:s7+s3], $0x1C00, $0x38;
	[tilespmem:$0x1F400] =	vst v63  }
0x12: {  	_ =	swait.ge [sflag:s13], $0x1C00  }
0x13: {  	[sflag:s13] =	ssyncset.done $0x0  }
0x14: {  	s18 =	simm.s32 $0x1C00;
	[sflag:s13] =	ssyncadd.s32 $0xFFFFE400  }
0x15: {  	[tilespmem:s18], [sflag:$0x2] =	stream.linear.gather [hbm4b:s8+s3], $0x1C00, $0x38;
	[tilespmem:$0x1F400] =	vst v63  }
0x16: {  	_ =	swait.ge [sflag:s13], $0x1C00  }
0x17: {  	[sflag:s13] =	ssyncset.done $0x0  }
0x18: {  	s19 =	simm.s32 $0x80;
	[sflag:s13] =	ssyncadd.s32 $0xFFFFE400  }
0x19: {  	[tilespmem:s14], [sflag:$0x1] =	stream.indirect.gather [hbm4b:s4+s19], $0x80, s3, s19, $0xb8;
	[tilespmem:$0x1F400] =	vst v63  }
0x1a: {  	[spmem:s16], [sflag:s15] =	dma.local [hbm:s5], $0x2780  }
0x1b: {  	_ =	swait.ge [sflag:s13], $0x2780  }
0x1c: {  	[sflag:s13] =	ssyncset.done $0x0  }
0x1d: {  	p0 =	sle.u32 s6, $0x0;
	[sflag:s13] =	ssyncadd.s32 $0xFFFFD880  }
0x1e: {  	s20 =	simm.s32 $0x0;
	s21 =	simm.s32 @!p0 $0x1;
	[bflag:$0x0] =	sbarrier.arrive $0xFFFF  }
0x1f: {  	p1 =	sle.u32 s6, $0x1;
	s20 =	sand.u32 $0x1, s20;
	_ =	swait.ge @!p0 [sflag:s21], $0x4000  }
0x20: {  	s22 =	sshll.u32 @!p1 s20, $0xE;
	s20 =	sshll.u32 @!p0 s20, $0xE;
	[sflag:s21] =	ssyncset.done @!p0 $0x0  }
0x21: {  	[sflag:s21] =	ssyncadd.s32 @!p0 $0xFFFFC000;
	s21 =	sxor.u32 @!p1 $0x7800, s22;
	s22 =	simm.s32 @!p1 $0x80  }
0x22: {  	[tilespmem:s21], [sflag:$0x1] =	stream.indirect.gather @!p1 [hbm4b:s4+s22], $0x80, s19, s22, $0xb8;
	[tilespmem:$0x1F400] =	vst v63  }
0x23: {  	s19 =	sor.u32 @!p0 $0x3800, s20;
	s20 =	simm.s32 @!p0 $0x80;
	s22 =	simm.s32 @!p0 $0x2  }
0x24: {  	[spmem:s1] =	stream.indirect.scatter.add.f32 @!p0 [tilespmem:s19], [sflag:$0x2], $0x80, s18, s20, $0xb8;
	[tilespmem:$0x1F400] =	vst v63  }
0x25: {  	s21 =	simm.s32 $0x2;
	s20 =	simm.s32 $0x3;
	_ =	swait.ge @!p0 [sflag:s22], $0x4000  }
0x26: {  	s18 =	simm.s32 $0x1C80;
	s19 =	simm.s32 $0x100;
	[sflag:s22] =	ssyncset.done @!p0 $0x0  }
.LBB2_2:
0x27: {  	s23 =	sadd.s32 $0xFFFFFFFF, s21  }
0x28: {  	[sflag:s22] =	ssyncadd.s32 @!p0 $0xFFFFC000;
	s22 =	smov.u32 s20;
	s20 =	sadd.s32 $0x1, s20  }
0x29: {  	p2 =	sge.u32 s21, s6;
	s24 =	sand.u32 $0x1, s23;
	p0 =	sge.u32 s23, s6  }
0x2a: {  	s23 =	simm.s32 @!p0 $0x1;
	s25 =	sshll.u32 @!p2 s24, $0xE;
	s21 =	sshll.u32 @!p0 s24, $0xE  }
0x2b: {  	p1 =	sne.s32 s20, $0x39;
	_ =	swait.ge @!p0 [sflag:s23], $0x4000;
	s24 =	sor.u32 @!p0 $0x3800, s21  }
0x2c: {  	s21 =	smov.u32 s22;
	[sflag:s23] =	ssyncset.done @!p0 $0x0  }
0x2d: {  	s22 =	sxor.u32 @!p2 $0x7800, s25;
	[sflag:s23] =	ssyncadd.s32 @!p0 $0xFFFFC000;
	s23 =	simm.s32 @!p2 $0x80  }
0x2e: {  	[tilespmem:s22], [sflag:$0x1] =	stream.indirect.gather @!p2 [hbm4b:s4+s23], $0x80, s19, s23, $0xb8;
	[tilespmem:$0x1F400] =	vst v63  }
.Ltmp0:
0x2f: {  	_ = 	snop;
	(pc) =	sbr.rel @p1 .LBB2_2-.Ltmp0, $4  }
0x30: {  	s23 =	simm.s32 @!p0 $0x80;
	s22 =	simm.s32 @!p0 $0x2  }
0x31: {  	[spmem:s1] =	stream.indirect.scatter.add.f32 @!p0 [tilespmem:s24], [sflag:$0x2], $0x80, s18, s23, $0xb8;
	[tilespmem:$0x1F400] =	vst v63  }
0x32: {  	_ =	swait.ge @!p0 [sflag:s22], $0x4000  }
0x33: {  	s19 =	sadd.s32 $0x80, s19;
	s18 =	sadd.s32 $0x80, s18;
	[sflag:s22] =	ssyncset.done @!p0 $0x0  }
0x34: {  	s20 =	sadd.s32 $0xFFFFFFFF, s21  }
0x35: {  	p1 =	sge.u32 s20, s6  }
0x36: {  	[sflag:s22] =	ssyncadd.s32 @!p0 $0xFFFFC000;
	s22 =	simm.s32 @!p1 $0x1  }
0x37: {  	p0 =	sge.u32 s21, s6;
	s20 =	sand.u32 $0x1, s20;
	_ =	swait.ge @!p1 [sflag:s22], $0x4000  }
0x38: {  	s21 =	sshll.u32 @!p0 s20, $0xE;
	s20 =	sshll.u32 @!p1 s20, $0xE;
	[sflag:s22] =	ssyncset.done @!p1 $0x0  }
0x39: {  	s21 =	sxor.u32 @!p0 $0x7800, s21;
	[sflag:s22] =	ssyncadd.s32 @!p1 $0xFFFFC000;
	s22 =	simm.s32 @!p0 $0x80  }
0x3a: {  	[tilespmem:s21], [sflag:$0x1] =	stream.indirect.gather @!p0 [hbm4b:s4+s22], $0x80, s19, s22, $0xb8;
	[tilespmem:$0x1F400] =	vst v63  }
0x3b: {  	s19 =	sor.u32 @!p1 $0x3800, s20;
	s20 =	simm.s32 @!p1 $0x80;
	s21 =	simm.s32 @!p1 $0x2  }
0x3c: {  	[spmem:s1] =	stream.indirect.scatter.add.f32 @!p1 [tilespmem:s19], [sflag:$0x2], $0x80, s18, s20, $0xb8;
	[tilespmem:$0x1F400] =	vst v63  }
0x3d: {  	_ =	swait.ge @!p1 [sflag:s21], $0x4000  }
0x3e: {  	[sflag:s21] =	ssyncset.done @!p1 $0x0  }
0x3f: {  	[sflag:s21] =	ssyncadd.s32 @!p1 $0xFFFFC000  }
0x40: {  	[tilespmem:s3], [sflag:$0x2] =	stream.linear.gather [hbm4b:s9+s3], $0x1C00, $0x38;
	[tilespmem:$0x1F400] =	vst v63  }
0x41: {  	_ =	swait.ge [sflag:s13], $0x1C00  }
0x42: {  	[sflag:s13] =	ssyncset.done $0x0  }
0x43: {  	s18 =	simm.s32 $0x1C00;
	[sflag:s13] =	ssyncadd.s32 $0xFFFFE400  }
0x44: {  	[tilespmem:s18], [sflag:$0x2] =	stream.linear.gather [hbm4b:s10+s3], $0x1C00, $0x38;
	[tilespmem:$0x1F400] =	vst v63  }
0x45: {  	_ =	swait.ge [sflag:s13], $0x1C00  }
0x46: {  	s31 =	simm.s32 $0x0;
	p0 =	sle.u32 s6, $0x0;
	[sflag:s13] =	ssyncset.done $0x0  }
0x47: {  	s19 =	simm.s32 $0x80;
	s21 =	simm.s32 @!p0 $0x1;
	[sflag:s13] =	ssyncadd.s32 $0xFFFFE400  }
0x48: {  	[tilespmem:s14], [sflag:$0x1] =	stream.indirect.gather [hbm4b:s4+s19], $0x80, s3, s19, $0xb8;
	[tilespmem:$0x1F400] =	vst v63  }
0x49: {  	s20 =	sand.u32 $0x1, s31;
	p1 =	sle.u32 s6, $0x1;
	_ =	swait.ge @!p0 [sflag:s21], $0x4000  }
0x4a: {  	s22 =	sshll.u32 @!p1 s20, $0xE;
	s20 =	sshll.u32 @!p0 s20, $0xE;
	[sflag:s21] =	ssyncset.done @!p0 $0x0  }
0x4b: {  	[sflag:s21] =	ssyncadd.s32 @!p0 $0xFFFFC000;
	s21 =	sxor.u32 @!p1 $0x7800, s22;
	s22 =	simm.s32 @!p1 $0x80  }
0x4c: {  	[tilespmem:s21], [sflag:$0x1] =	stream.indirect.gather @!p1 [hbm4b:s4+s22], $0x80, s19, s22, $0xb8;
	[tilespmem:$0x1F400] =	vst v63  }
0x4d: {  	s19 =	sor.u32 @!p0 $0x3800, s20;
	s20 =	simm.s32 @!p0 $0x80;
	s22 =	simm.s32 @!p0 $0x2  }
0x4e: {  	[spmem:s1] =	stream.indirect.scatter.add.f32 @!p0 [tilespmem:s19], [sflag:$0x2], $0x80, s18, s20, $0xb8;
	[tilespmem:$0x1F400] =	vst v63  }
0x4f: {  	s21 =	simm.s32 $0x2;
	s20 =	simm.s32 $0x3;
	_ =	swait.ge @!p0 [sflag:s22], $0x4000  }
0x50: {  	s18 =	simm.s32 $0x1C80;
	s19 =	simm.s32 $0x100;
	[sflag:s22] =	ssyncset.done @!p0 $0x0  }
.LBB2_4:
0x51: {  	s23 =	sadd.s32 $0xFFFFFFFF, s21  }
0x52: {  	[sflag:s22] =	ssyncadd.s32 @!p0 $0xFFFFC000;
	s22 =	smov.u32 s20;
	s20 =	sadd.s32 $0x1, s20  }
0x53: {  	p2 =	sge.u32 s21, s6;
	s24 =	sand.u32 $0x1, s23;
	p0 =	sge.u32 s23, s6  }
0x54: {  	s23 =	simm.s32 @!p0 $0x1;
	s25 =	sshll.u32 @!p2 s24, $0xE;
	s21 =	sshll.u32 @!p0 s24, $0xE  }
0x55: {  	p1 =	sne.s32 s20, $0x39;
	_ =	swait.ge @!p0 [sflag:s23], $0x4000;
	s24 =	sor.u32 @!p0 $0x3800, s21  }
0x56: {  	s21 =	smov.u32 s22;
	[sflag:s23] =	ssyncset.done @!p0 $0x0  }
0x57: {  	s22 =	sxor.u32 @!p2 $0x7800, s25;
	[sflag:s23] =	ssyncadd.s32 @!p0 $0xFFFFC000;
	s23 =	simm.s32 @!p2 $0x80  }
0x58: {  	[tilespmem:s22], [sflag:$0x1] =	stream.indirect.gather @!p2 [hbm4b:s4+s23], $0x80, s19, s23, $0xb8;
	[tilespmem:$0x1F400] =	vst v63  }
.Ltmp1:
0x59: {  	_ = 	snop;
	(pc) =	sbr.rel @p1 .LBB2_4-.Ltmp1, $4  }
0x5a: {  	s23 =	simm.s32 @!p0 $0x80;
	s22 =	simm.s32 @!p0 $0x2  }
0x5b: {  	[spmem:s1] =	stream.indirect.scatter.add.f32 @!p0 [tilespmem:s24], [sflag:$0x2], $0x80, s18, s23, $0xb8;
	[tilespmem:$0x1F400] =	vst v63  }
0x5c: {  	_ =	swait.ge @!p0 [sflag:s22], $0x4000  }
0x5d: {  	s19 =	sadd.s32 $0x80, s19;
	s18 =	sadd.s32 $0x80, s18;
	[sflag:s22] =	ssyncset.done @!p0 $0x0  }
0x5e: {  	s20 =	sadd.s32 $0xFFFFFFFF, s21  }
0x5f: {  	p1 =	sge.u32 s20, s6  }
0x60: {  	[sflag:s22] =	ssyncadd.s32 @!p0 $0xFFFFC000;
	s22 =	simm.s32 @!p1 $0x1  }
0x61: {  	p0 =	sge.u32 s21, s6;
	s20 =	sand.u32 $0x1, s20;
	_ =	swait.ge @!p1 [sflag:s22], $0x4000  }
0x62: {  	s21 =	sshll.u32 @!p0 s20, $0xE;
	s20 =	sshll.u32 @!p1 s20, $0xE;
	[sflag:s22] =	ssyncset.done @!p1 $0x0  }
0x63: {  	s21 =	sxor.u32 @!p0 $0x7800, s21;
	[sflag:s22] =	ssyncadd.s32 @!p1 $0xFFFFC000;
	s22 =	simm.s32 @!p0 $0x80  }
0x64: {  	[tilespmem:s21], [sflag:$0x1] =	stream.indirect.gather @!p0 [hbm4b:s4+s22], $0x80, s19, s22, $0xb8;
	[tilespmem:$0x1F400] =	vst v63  }
0x65: {  	s19 =	sor.u32 @!p1 $0x3800, s20;
	s20 =	simm.s32 @!p1 $0x80;
	s21 =	simm.s32 @!p1 $0x2  }
0x66: {  	[spmem:s1] =	stream.indirect.scatter.add.f32 @!p1 [tilespmem:s19], [sflag:$0x2], $0x80, s18, s20, $0xb8;
	[tilespmem:$0x1F400] =	vst v63  }
0x67: {  	_ =	swait.ge @!p1 [sflag:s21], $0x4000  }
0x68: {  	s17 =	sadd.s32 $0x1, s17;
	[sflag:s21] =	ssyncset.done @!p1 $0x0  }
0x69: {  	p0 =	sne.s32 s17, s12;
	[sflag:s21] =	ssyncadd.s32 @!p1 $0xFFFFC000  }
.Ltmp2:
0x6a: {  	[bflag:$0x0] =	sbarrier.arrive $0xFFFF;
	(pc) =	sbr.rel @p0 .LBB2_1-.Ltmp2, $4  }
0x6b: {  	[hbm:s11], [sflag:s15] =	dma.local [spmem:s16], $0x2780  }
0x6c: {  	_ =	swait.ge [sflag:s13], $0x2780  }
0x6d: {  	[sflag:s13] =	ssyncset.done $0x0  }
0x6e: {  	[sflag:s13] =	ssyncadd.s32 $0xFFFFD880  }
0x6f: {  	_ =	sfence.sel $0x180000  }
0x70: {  	[bflag:$0x0] =	sbarrier.arrive $0xFFFF  }
0x71: {  	p0 =	sne.s32 s2, $0x0;
	_ =	strace $0x9000004A  }
0x72: {  	s0 =	sadd.s32 @!p0 $0x100000, s0;
	[bflag:$0x2] =	sbarrier.arrive $0xFFFF  }
0x73: {  	[sflag:s0] =	ssyncadd.tile.s32 @!p0 $0x1;
	_ =	shalt  }
.Lfunc_end2:
_tile_overlayer_lowered:
.L_overlay_start_2:
0x74: {  	(tag) =	ssettag $0x2  }
0x75: {  	s0 =	rddreg [dreg:$0x0];
	s2 =	stileid.u32  }
0x76: {  	s1 =	rddreg [dreg:$0x1];
	p0 =	sne.s32 s2, $0x0  }
0x77: {  	s3 =	rddreg [dreg:$0x2];
	[bflag:$0x3] =	sbarrier.arrive $0xFFFF;
	s2 =	simm.s32 @!p0 $0x1C02  }
0x78: {  	[timem:s3], [sflag:s2] =	dma.local @!p0 [hbm:s0], s1  }
0x79: {  	s0 =	simm.s32 @!p0 $0x2  }
0x7a: {  	_ =	swait.ge @!p0 [sflag:s0], s1  }
0x7b: {  	s1 =	ssub.s32 @!p0 $0x0, s1;
	[sflag:s0] =	ssyncset.done @!p0 $0x0  }
0x7c: {  	[sflag:s0] =	ssyncadd.s32 @!p0 s1  }
0x7d: {  	[bflag:$0x3] =	sbarrier.arrive $0xFFFF  }
0x7e: {  	_ =	shalt  }

// kernel: kernel.17.cloned.1.call-start
scs
__scs_entry_jumppad:
0x0: {  	(pc) =	sbr.rel $0x88, $3  }
0x1: {  	(tag) =	ssettag $0x0;
	lr =	simm.s32 $0x1  }
0x2: {  	[smem:$0x3F96] =	sst lr;
	_ =	strace $0xD0000000  }
0x3: {  	_ = 	snop  }
0x4: {  	_ = 	snop  }
0x5: {  	_ = 	snop  }
0x6: {  	_ = 	snop  }
0x7: {  	_ = 	snop  }
__scs_overlays_trampoline_lowered:
0x8: {  	[smem:$0x3FA5] =	sst s0  }
0x9: {  	[smem:$0x3FA6] =	sst s1  }
0xa: {  	[smem:$0x3FA7] =	sst s2  }
0xb: {  	[smem:$0x3FA8] =	sst s3  }
0xc: {  	[smem:$0x3FA9] =	sst s4  }
0xd: {  	[smem:$0x3FAA] =	sst s5  }
0xe: {  	[smem:$0x3FAB] =	sst s6  }
0xf: {  	[smem:$0x3FAC] =	sst s7  }
0x10: {  	[smem:$0x3FAD] =	sst s8  }
0x11: {  	[smem:$0x3FAE] =	sst s9;
	s0 =	simm.s32 @!p0 $0x0  }
0x12: {  	s1 =	sld [smem:$0x3F94];
	s0 =	simm.s32 @p0 $0x1  }
0x13: {  	[smem:$0x3FAF] =	sst s0;
	s0 =	simm.s32 @!p1 $0x0  }
0x14: {  	s2 =	sld [smem:$0x3F93];
	s0 =	simm.s32 @p1 $0x1  }
0x15: {  	[smem:$0x3FB0] =	sst s0;
	s0 =	simm.s32 @!p2 $0x0  }
0x16: {  	s3 =	sld [smem:$0x3FDB];
	s0 =	simm.s32 @p2 $0x1  }
0x17: {  	s4 =	simm.s32 $0x1BF5;
	[smem:$0x3FB2] =	sst s0  }
0x18: {  	s0 =	sld [smem:$0x3F95];
	_ =	swait.ge [sflag:s4], $0x0  }
0x19: {  	s7 =	sld [smem:$0x3F96]  }
0x1a: {  	s8 =	sadd.s32 $0xFFFFE003, lr  }
0x1b: {  	s9 =	sadd.s32 $0xFFFFFEF7, lr;
	s5 =	simm.s32 $0xFFFFFFFF;
	p2 =	slt.u32 s8, $0xFFFFF086  }
0x1c: {  	p1 =	slt.u32 s9, $0xF7A;
	s5 =	simm.s32 @!p2 $0x0  }
0x1d: {  	s5 =	simm.s32 @p1 $0x1;
	p0 =	seq.s32 s7, s2  }
0x1e: {  	s7 =	smul.u32 @!p0 $0xF7A, s2;
	p2 =	seq.s32 @!p0 s5, $0x0  }
0x1f: {  	s9 =	smul.u32 $0xF7A, s1;
	s8 =	simm.s32 @!p0 $0x1BF5;
	p2 =	por !p2, p0  }
0x20: {  	[sflag:s8] =	ssyncset.s32 @!p0 $0xFFFFF086;
	s6 =	sadd.s32 @!p0 s3, s7;
	s7 =	simm.s32 @!p0 $0x108  }
0x21: {  	s3 =	sadd.s32 s3, s9;
	s6 =	sadd.s32 @!p0 $0x88, s6;
	s7 =	simm.s32 @p2 $0x1082  }
0x22: {  	[simem:s7], [sflag:s8] =	dma.local @!p0 [hbm:s6], $0xF7A  }
0x23: {  	s9 =	sor.u32 $0xD0000000, s2;
	s6 =	simm.s32 $0x108;
	_ =	swait.ge @!p0 [sflag:s8], $0x0  }
0x24: {  	s3 =	sadd.s32 $0x88, s3;
	s6 =	simm.s32 @!p1 $0x1082;
	[sflag:s4] =	ssyncset.s32 $0xFFFFF086  }
0x25: {  	[simem:s6], [sflag:s4] =	dma.local [hbm:s3], $0xF7A  }
0x26: {  	[smem:$0x3F96] =	sst s1;
	(tag) =	ssettag s2;
	_ =	strace s9  }
0x27: {  	s1 =	sld [smem:$0x3FA6]  }
0x28: {  	s2 =	sld [smem:$0x3FA7]  }
0x29: {  	s4 =	sld [smem:$0x3FA9]  }
0x2a: {  	p0 =	seq.s32 s5, $0x0;
	s5 =	sld [smem:$0x3FAA]  }
0x2b: {  	s6 =	sld [smem:$0x3FAB]  }
0x2c: {  	s7 =	sld [smem:$0x3FAC]  }
0x2d: {  	s3 =	simm.s32 $0x108;
	s8 =	sld [smem:$0x3FAD]  }
0x2e: {  	s3 =	simm.s32 @!p0 $0x1082;
	s9 =	sld [smem:$0x3FAE]  }
0x2f: {  	lr =	sadd.s32 s0, s3;
	s0 =	sld [smem:$0x3FA5]  }
0x30: {  	s3 =	sld [smem:$0x3FA8]  }
0x31: {  	[smem:$0x3FB1] =	sst s10  }
0x32: {  	s10 =	sld [smem:$0x3FAF];
	_ =	sdelay $0x3  }
0x33: {  	p0 =	seq.s32 s10, $0x1;
	s10 =	sld [smem:$0x3FB1];
	_ =	sdelay $0x3  }
0x34: {  	[smem:$0x3FB1] =	sst s10  }
0x35: {  	s10 =	sld [smem:$0x3FB0];
	_ =	sdelay $0x3  }
0x36: {  	p1 =	seq.s32 s10, $0x1;
	s10 =	sld [smem:$0x3FB1];
	_ =	sdelay $0x3  }
0x37: {  	[smem:$0x3FB1] =	sst s10  }
0x38: {  	s10 =	sld [smem:$0x3FB2]  }
0x39: {  	_ = 	snop;
	(pc) =	sbr.ind lr, $3  }
0x3a: {  	_ = 	snop  }
0x3b: {  	_ = 	snop  }
0x3c: {  	p2 =	seq.s32 s10, $0x1;
	s10 =	sld [smem:$0x3FB1]  }
0x3d: {  	_ =	shalt  }
0x3e: {  	_ =	shalt  }
0x3f: {  	_ =	shalt  }
0x40: {  	_ =	shalt  }
0x41: {  	_ =	shalt  }
0x42: {  	_ =	shalt  }
0x43: {  	_ =	shalt  }
0x44: {  	_ =	shalt  }
0x45: {  	_ =	shalt  }
0x46: {  	_ =	shalt  }
0x47: {  	_ =	shalt  }
0x48: {  	_ =	shalt  }
0x49: {  	_ =	shalt  }
0x4a: {  	_ =	shalt  }
0x4b: {  	_ =	shalt  }
0x4c: {  	_ =	shalt  }
0x4d: {  	_ =	shalt  }
0x4e: {  	_ =	shalt  }
0x4f: {  	_ =	shalt  }
0x50: {  	_ =	shalt  }
0x51: {  	_ =	shalt  }
0x52: {  	_ =	shalt  }
0x53: {  	_ =	shalt  }
0x54: {  	_ =	shalt  }
0x55: {  	_ =	shalt  }
0x56: {  	_ =	shalt  }
0x57: {  	_ =	shalt  }
0x58: {  	_ =	shalt  }
0x59: {  	_ =	shalt  }
0x5a: {  	_ =	shalt  }
0x5b: {  	_ =	shalt  }
0x5c: {  	_ =	shalt  }
0x5d: {  	_ =	shalt  }
0x5e: {  	_ =	shalt  }
0x5f: {  	_ =	shalt  }
0x60: {  	_ =	shalt  }
0x61: {  	_ =	shalt  }
0x62: {  	_ =	shalt  }
0x63: {  	_ =	shalt  }
0x64: {  	_ =	shalt  }
0x65: {  	_ =	shalt  }
0x66: {  	_ =	shalt  }
0x67: {  	_ =	shalt  }
0x68: {  	_ =	shalt  }
0x69: {  	_ =	shalt  }
0x6a: {  	_ =	shalt  }
0x6b: {  	_ =	shalt  }
0x6c: {  	_ =	shalt  }
0x6d: {  	_ =	shalt  }
0x6e: {  	_ =	shalt  }
0x6f: {  	_ =	shalt  }
0x70: {  	_ =	shalt  }
0x71: {  	_ =	shalt  }
0x72: {  	_ =	shalt  }
0x73: {  	_ =	shalt  }
0x74: {  	_ =	shalt  }
0x75: {  	_ =	shalt  }
0x76: {  	_ =	shalt  }
0x77: {  	_ =	shalt  }
0x78: {  	_ =	shalt  }
0x79: {  	_ =	shalt  }
0x7a: {  	_ =	shalt  }
0x7b: {  	_ =	shalt  }
0x7c: {  	_ =	shalt  }
0x7d: {  	_ =	shalt  }
0x7e: {  	_ =	shalt  }
0x7f: {  	_ =	shalt  }
0x80: {  	_ =	shalt  }
0x81: {  	_ =	shalt  }
0x82: {  	_ =	shalt  }
0x83: {  	_ =	shalt  }
0x84: {  	_ =	shalt  }
0x85: {  	_ =	shalt  }
0x86: {  	_ =	shalt  }
0x87: {  	_ =	shalt  }
.Lfunc_end0:
.L_simem_size_0:
called_computation.2_lowered:
.L_overlay_start_0:
0x88: {  	s2 =	sld [smem:$0x3FD9]  }
0x89: {  	s3 =	sld [smem:$0x3FFE];
	_ =	sdelay $0x1  }
0x8a: {  	s1 =	srdreg.scid  }
0x8b: {  	s0 =	sand.u32 $0x1, s1  }
0x8c: {  	s16 =	sshll.u32 s0, $0xA;
	s2 =	sadd.s32 s3, s2  }
0x8d: {  	s2 =	sadd.s32 s2, s16  }
0x8e: {  	[smem:$0x3FBD] =	sst s2  }
0x8f: {  	_ = 	snop  }
0x90: {  	(tm) =	ssettm $0x1  }
0x91: {  	s17 =	sld [smem:$0x3FFB];
	_ =	sdelay $0x3  }
0x92: {  	_ =	strace s17  }
0x93: {  	s2 =	sld [smem:$0x3FFC];
	_ =	sdelay $0x3  }
0x94: {  	_ =	strace s2  }
0x95: {  	s2 =	sld [smem:$0x3FFD];
	_ =	sdelay $0x3  }
0x96: {  	_ =	strace s2  }
0x97: {  	_ =	strace $0x8FFFFFFF  }
0x98: {  	s18 =	sld [smem:$0x3FDB];
	_ =	sdelay $0x1  }
0x99: {  	s19 =	simm.s32 $_scs_section_size  }
0x9a: {  	s4 =	simm.s32 $_size__tile_overlayer_lowered;
	s5 =	simm.s32 $_tile_overlayer_lowered  }
0x9b: {  	s22 =	simm.s32 $0x1BFF;
	s21 =	sshll.u32 s5, $0x1;
	s2 =	sadd.s32 s19, s18  }
0x9c: {  	s6 =	simm.s32 $0x0;
	s20 =	sshll.u32 s4, $0x1;
	s4 =	sadd.s32 s21, s2  }
0x9d: {  	[timem:s6], [sflag:s22] =	dma.local [hbm:s4], s20  }
0x9e: {  	_ =	swait.ge [sflag:s22], s20  }
0x9f: {  	s3 =	ssub.s32 $0x0, s20;
	[sflag:s22] =	ssyncset.done $0x0  }
0xa0: {  	[sflag:s22] =	ssyncadd.s32 s3;
	_ =	sdelay $0x1  }
0xa1: {  	s23 =	simm.s32 $0x1B8B  }
0xa2: {  	_ =	swait.ge [sflag:s23], $0x1  }
0xa3: {  	[sflag:s23] =	ssyncset.done $0x0  }
0xa4: {  	s25 =	simm.s32 $0x1B8E;
	s24 =	sld [smem:$0x3FFE];
	[sflag:s23] =	ssyncadd.s32 $0xFFFFFFFF  }
0xa5: {  	s26 =	simm.s32 $execute0_lowered;
	[smem:$0x3FD2] =	sst s25  }
0xa6: {  	s4 =	sshll.u32 s26, $0x1;
	_ =	strace $0x8000004C;
	[dreg:$0x1] =	wrdreg $0xFFFFFFFF  }
0xa7: {  	s28 =	simm.s32 $_size_execute0_lowered;
	s2 =	sadd.s32 s2, s4;
	[dreg:$0x0] =	wrdreg $0x0  }
0xa8: {  	s4 =	sshll.u32 s28, $0x1;
	[dreg:$0x2] =	wrdreg s2  }
0xa9: {  	[dreg:$0x3] =	wrdreg s4  }
0xaa: {  	[dreg:$0x4] =	wrdreg $0xC0  }
0xab: {  	_ =	task [dreg:s6], $0x5FFFF  }
0xac: {  	[dreg:$0x1] =	wrdreg $0xFFFFFFFF  }
0xad: {  	[dreg:$0x0] =	wrdreg $0x60  }
0xae: {  	[dreg:$0x2] =	wrdreg s24  }
0xaf: {  	[dreg:$0x3] =	wrdreg $0xB8000  }
0xb0: {  	[dreg:$0x4] =	wrdreg $0x9  }
0xb1: {  	_ =	task.clear_ibuf [dreg:s6], $0x5FFFF;
	_ =	strace $0x9000004C  }
0xb2: {  	s29 =	simm.s32 $0x9;
	_ =	strace $0x8000004E  }
0xb3: {  	_ =	swait.ge [sflag:s29], $0x1  }
0xb4: {  	[sflag:s29] =	ssyncadd.s32 $0xFFFFFFFF  }
0xb5: {  	_ =	strace $0x9000004E  }
0xb6: {  	_ =	sfence  }
0xb7: {  	s30 =	sld [smem:$0x0];
	_ =	sdelay $0x2  }
0xb8: {  	s31 =	sshll.u32 s1, $0xD;
	s1 =	sshrl.u32 s1, $0x2  }
0xb9: {  	s3 =	sand.u32 $0x4000, s31;
	s1 =	sadd.s32 s1, s30  }
0xba: {  	s0 =	sor.u32 s3, s0;
	s1 =	sshll.u32 s1, $0x11  }
0xbb: {  	s0 =	sor.u32 s1, s0  }
0xbc: {  	s0 =	sadd.s32 $0x8F2B, s0  }
0xbd: {  	[sflag:s0] =	ssyncadd.remote.s32 $0x1  }
0xbe: {  	_ =	sfence.sel $0xFFFF  }
0xbf: {  	[dreg:$0x0] =	wrdreg $0xFFFFFFFF;
	(pc) =	sbr.abs _section_cstart, $3  }
0xc0: {  	[dreg:$0x1] =	wrdreg $0xFFFFFFFF  }
0xc1: {  	_ =	task.clear_ibuf [dreg:s6], $0x2FFFF;
	_ =	strace $0x9FFFFFFF  }
0xc2: {  	(tm) =	ssettm $0x7FFFFFFF  }
0xc3: {  	_ =	shalt  }
tec
execute0_lowered:
.L_overlay_start_1:
0x0: {  	(tag) =	ssettag $0x1  }
0x1: {  	s6 =	rddreg [dreg:$0x0]  }
0x2: {  	s1 =	rddreg [dreg:$0x1];
	s2 =	srdreg.scid  }
0x3: {  	s0 =	rddreg [dreg:$0x2];
	s3 =	simm.s32 $0x0;
	s7 =	sand.u32 $0x1, s2  }
0x4: {  	s17 =	simm.s32 $0x0;
	s2 =	stileid.u32;
	s5 =	smul.u32 $0x13C000, s7  }
0x5: {  	[smem:$0x7FF] =	sst s3;
	s4 =	sadd.s32 $0x18A00, s6;
	s8 =	smul.u32 $0x13C00, s2  }
0x6: {  	s9 =	sadd.s32 $0x4A00, s6;
	s10 =	sadd.s32 $0xEA00, s6;
	s11 =	smul.u32 $0xA0, s2  }
0x7: {  	_ =	strace $0x8000004D;
	s25 =	ssub.s32 $0x2, s7;
	s13 =	smul.u32 $0x70, s7  }
0x8: {  	p0 =	seq.s32 s7, $0x0;
	s28 =	smul.u32 $0x4F000, s2;
	s15 =	sshll.u32 s2, $0x6  }
0x9: {  	s14 =	sshrl.u32 s25, $0x1;
	s15 =	sor.u32 $0x1C02, s15;
	s8 =	sadd.s32 s8, s5  }
0xa: {  	s5 =	sadd.s32 $0x66E00, s6;
	s26 =	sadd.s32 s13, s11;
	s29 =	ssub.s32 s25, s14  }
0xb: {  	s11 =	sshrl.u32 s28, $0x2;
	s13 =	simm.s32 $0x2;
	s8 =	sshrl.u32 s8, $0x3  }
0xc: {  	s30 =	sshll.u32 s26, $0x4;
	s12 =	sadd.s32 s8, s6;
	s6 =	simm.s32 $0x38  }
0xd: {  	s16 =	sadd.s32 s11, s1;
	s7 =	sadd.s32 s9, s30;
	s6 =	simm.s32 @!p0 $0x18  }
0xe: {  	s8 =	sadd.s32 s10, s30;
	s16 =	sshrl.u32 s16, $0x3;
	s31 =	sadd.s32 s6, s26  }
0xf: {  	s11 =	sadd.s32 $0x69600, s12;
	s12 =	smax.u32 s29, $0x1;
	s14 =	sshll.u32 s31, $0x4  }
0x10: {  	s9 =	sadd.s32 s9, s14;
	s10 =	sadd.s32 s10, s14;
	s14 =	simm.s32 $0x3800  }
.LBB2_1:
0x11: {  	[tilespmem:s3], [sflag:$0x2] =	stream.linear.gather [hbm4b:s7+s3], $0x1C00, $0x38;
	[tilespmem:$0x1F400] =	vst v63  }
0x12: {  	_ =	swait.ge [sflag:s13], $0x1C00  }
0x13: {  	[sflag:s13] =	ssyncset.done $0x0  }
0x14: {  	s18 =	simm.s32 $0x1C00;
	[sflag:s13] =	ssyncadd.s32 $0xFFFFE400  }
0x15: {  	[tilespmem:s18], [sflag:$0x2] =	stream.linear.gather [hbm4b:s8+s3], $0x1C00, $0x38;
	[tilespmem:$0x1F400] =	vst v63  }
0x16: {  	_ =	swait.ge [sflag:s13], $0x1C00  }
0x17: {  	[sflag:s13] =	ssyncset.done $0x0  }
0x18: {  	s19 =	simm.s32 $0x80;
	[sflag:s13] =	ssyncadd.s32 $0xFFFFE400  }
0x19: {  	[tilespmem:s14], [sflag:$0x1] =	stream.indirect.gather [hbm4b:s4+s19], $0x80, s3, s19, $0xb8;
	[tilespmem:$0x1F400] =	vst v63  }
0x1a: {  	[spmem:s16], [sflag:s15] =	dma.local [hbm:s5], $0x2780  }
0x1b: {  	_ =	swait.ge [sflag:s13], $0x2780  }
0x1c: {  	[sflag:s13] =	ssyncset.done $0x0  }
0x1d: {  	p0 =	sle.u32 s6, $0x0;
	[sflag:s13] =	ssyncadd.s32 $0xFFFFD880  }
0x1e: {  	s20 =	simm.s32 $0x0;
	s21 =	simm.s32 @!p0 $0x1;
	[bflag:$0x0] =	sbarrier.arrive $0xFFFF  }
0x1f: {  	p1 =	sle.u32 s6, $0x1;
	s20 =	sand.u32 $0x1, s20;
	_ =	swait.ge @!p0 [sflag:s21], $0x4000  }
0x20: {  	s22 =	sshll.u32 @!p1 s20, $0xE;
	s20 =	sshll.u32 @!p0 s20, $0xE;
	[sflag:s21] =	ssyncset.done @!p0 $0x0  }
0x21: {  	[sflag:s21] =	ssyncadd.s32 @!p0 $0xFFFFC000;
	s21 =	sxor.u32 @!p1 $0x7800, s22;
	s22 =	simm.s32 @!p1 $0x80  }
0x22: {  	[tilespmem:s21], [sflag:$0x1] =	stream.indirect.gather @!p1 [hbm4b:s4+s22], $0x80, s19, s22, $0xb8;
	[tilespmem:$0x1F400] =	vst v63  }
0x23: {  	s19 =	sor.u32 @!p0 $0x3800, s20;
	s20 =	simm.s32 @!p0 $0x80;
	s22 =	simm.s32 @!p0 $0x2  }
0x24: {  	[spmem:s1] =	stream.indirect.scatter.add.f32 @!p0 [tilespmem:s19], [sflag:$0x2], $0x80, s18, s20, $0xb8;
	[tilespmem:$0x1F400] =	vst v63  }
0x25: {  	s21 =	simm.s32 $0x2;
	s20 =	simm.s32 $0x3;
	_ =	swait.ge @!p0 [sflag:s22], $0x4000  }
0x26: {  	s18 =	simm.s32 $0x1C80;
	s19 =	simm.s32 $0x100;
	[sflag:s22] =	ssyncset.done @!p0 $0x0  }
.LBB2_2:
0x27: {  	s23 =	sadd.s32 $0xFFFFFFFF, s21  }
0x28: {  	[sflag:s22] =	ssyncadd.s32 @!p0 $0xFFFFC000;
	s22 =	smov.u32 s20;
	s20 =	sadd.s32 $0x1, s20  }
0x29: {  	p2 =	sge.u32 s21, s6;
	s24 =	sand.u32 $0x1, s23;
	p0 =	sge.u32 s23, s6  }
0x2a: {  	s23 =	simm.s32 @!p0 $0x1;
	s25 =	sshll.u32 @!p2 s24, $0xE;
	s21 =	sshll.u32 @!p0 s24, $0xE  }
0x2b: {  	p1 =	sne.s32 s20, $0x39;
	_ =	swait.ge @!p0 [sflag:s23], $0x4000;
	s24 =	sor.u32 @!p0 $0x3800, s21  }
0x2c: {  	s21 =	smov.u32 s22;
	[sflag:s23] =	ssyncset.done @!p0 $0x0  }
0x2d: {  	s22 =	sxor.u32 @!p2 $0x7800, s25;
	[sflag:s23] =	ssyncadd.s32 @!p0 $0xFFFFC000;
	s23 =	simm.s32 @!p2 $0x80  }
0x2e: {  	[tilespmem:s22], [sflag:$0x1] =	stream.indirect.gather @!p2 [hbm4b:s4+s23], $0x80, s19, s23, $0xb8;
	[tilespmem:$0x1F400] =	vst v63  }
.Ltmp0:
0x2f: {  	_ = 	snop;
	(pc) =	sbr.rel @p1 .LBB2_2-.Ltmp0, $4  }
0x30: {  	s23 =	simm.s32 @!p0 $0x80;
	s22 =	simm.s32 @!p0 $0x2  }
0x31: {  	[spmem:s1] =	stream.indirect.scatter.add.f32 @!p0 [tilespmem:s24], [sflag:$0x2], $0x80, s18, s23, $0xb8;
	[tilespmem:$0x1F400] =	vst v63  }
0x32: {  	_ =	swait.ge @!p0 [sflag:s22], $0x4000  }
0x33: {  	s19 =	sadd.s32 $0x80, s19;
	s18 =	sadd.s32 $0x80, s18;
	[sflag:s22] =	ssyncset.done @!p0 $0x0  }
0x34: {  	s20 =	sadd.s32 $0xFFFFFFFF, s21  }
0x35: {  	p1 =	sge.u32 s20, s6  }
0x36: {  	[sflag:s22] =	ssyncadd.s32 @!p0 $0xFFFFC000;
	s22 =	simm.s32 @!p1 $0x1  }
0x37: {  	p0 =	sge.u32 s21, s6;
	s20 =	sand.u32 $0x1, s20;
	_ =	swait.ge @!p1 [sflag:s22], $0x4000  }
0x38: {  	s21 =	sshll.u32 @!p0 s20, $0xE;
	s20 =	sshll.u32 @!p1 s20, $0xE;
	[sflag:s22] =	ssyncset.done @!p1 $0x0  }
0x39: {  	s21 =	sxor.u32 @!p0 $0x7800, s21;
	[sflag:s22] =	ssyncadd.s32 @!p1 $0xFFFFC000;
	s22 =	simm.s32 @!p0 $0x80  }
0x3a: {  	[tilespmem:s21], [sflag:$0x1] =	stream.indirect.gather @!p0 [hbm4b:s4+s22], $0x80, s19, s22, $0xb8;
	[tilespmem:$0x1F400] =	vst v63  }
0x3b: {  	s19 =	sor.u32 @!p1 $0x3800, s20;
	s20 =	simm.s32 @!p1 $0x80;
	s21 =	simm.s32 @!p1 $0x2  }
0x3c: {  	[spmem:s1] =	stream.indirect.scatter.add.f32 @!p1 [tilespmem:s19], [sflag:$0x2], $0x80, s18, s20, $0xb8;
	[tilespmem:$0x1F400] =	vst v63  }
0x3d: {  	_ =	swait.ge @!p1 [sflag:s21], $0x4000  }
0x3e: {  	[sflag:s21] =	ssyncset.done @!p1 $0x0  }
0x3f: {  	[sflag:s21] =	ssyncadd.s32 @!p1 $0xFFFFC000  }
0x40: {  	[tilespmem:s3], [sflag:$0x2] =	stream.linear.gather [hbm4b:s9+s3], $0x1C00, $0x38;
	[tilespmem:$0x1F400] =	vst v63  }
0x41: {  	_ =	swait.ge [sflag:s13], $0x1C00  }
0x42: {  	[sflag:s13] =	ssyncset.done $0x0  }
0x43: {  	s18 =	simm.s32 $0x1C00;
	[sflag:s13] =	ssyncadd.s32 $0xFFFFE400  }
0x44: {  	[tilespmem:s18], [sflag:$0x2] =	stream.linear.gather [hbm4b:s10+s3], $0x1C00, $0x38;
	[tilespmem:$0x1F400] =	vst v63  }
0x45: {  	_ =	swait.ge [sflag:s13], $0x1C00  }
0x46: {  	s31 =	simm.s32 $0x0;
	p0 =	sle.u32 s6, $0x0;
	[sflag:s13] =	ssyncset.done $0x0  }
0x47: {  	s19 =	simm.s32 $0x80;
	s21 =	simm.s32 @!p0 $0x1;
	[sflag:s13] =	ssyncadd.s32 $0xFFFFE400  }
0x48: {  	[tilespmem:s14], [sflag:$0x1] =	stream.indirect.gather [hbm4b:s4+s19], $0x80, s3, s19, $0xb8;
	[tilespmem:$0x1F400] =	vst v63  }
0x49: {  	s20 =	sand.u32 $0x1, s31;
	p1 =	sle.u32 s6, $0x1;
	_ =	swait.ge @!p0 [sflag:s21], $0x4000  }
0x4a: {  	s22 =	sshll.u32 @!p1 s20, $0xE;
	s20 =	sshll.u32 @!p0 s20, $0xE;
	[sflag:s21] =	ssyncset.done @!p0 $0x0  }
0x4b: {  	[sflag:s21] =	ssyncadd.s32 @!p0 $0xFFFFC000;
	s21 =	sxor.u32 @!p1 $0x7800, s22;
	s22 =	simm.s32 @!p1 $0x80  }
0x4c: {  	[tilespmem:s21], [sflag:$0x1] =	stream.indirect.gather @!p1 [hbm4b:s4+s22], $0x80, s19, s22, $0xb8;
	[tilespmem:$0x1F400] =	vst v63  }
0x4d: {  	s19 =	sor.u32 @!p0 $0x3800, s20;
	s20 =	simm.s32 @!p0 $0x80;
	s22 =	simm.s32 @!p0 $0x2  }
0x4e: {  	[spmem:s1] =	stream.indirect.scatter.add.f32 @!p0 [tilespmem:s19], [sflag:$0x2], $0x80, s18, s20, $0xb8;
	[tilespmem:$0x1F400] =	vst v63  }
0x4f: {  	s21 =	simm.s32 $0x2;
	s20 =	simm.s32 $0x3;
	_ =	swait.ge @!p0 [sflag:s22], $0x4000  }
0x50: {  	s18 =	simm.s32 $0x1C80;
	s19 =	simm.s32 $0x100;
	[sflag:s22] =	ssyncset.done @!p0 $0x0  }
.LBB2_4:
0x51: {  	s23 =	sadd.s32 $0xFFFFFFFF, s21  }
0x52: {  	[sflag:s22] =	ssyncadd.s32 @!p0 $0xFFFFC000;
	s22 =	smov.u32 s20;
	s20 =	sadd.s32 $0x1, s20  }
0x53: {  	p2 =	sge.u32 s21, s6;
	s24 =	sand.u32 $0x1, s23;
	p0 =	sge.u32 s23, s6  }
0x54: {  	s23 =	simm.s32 @!p0 $0x1;
	s25 =	sshll.u32 @!p2 s24, $0xE;
	s21 =	sshll.u32 @!p0 s24, $0xE  }
0x55: {  	p1 =	sne.s32 s20, $0x39;
	_ =	swait.ge @!p0 [sflag:s23], $0x4000;
	s24 =	sor.u32 @!p0 $0x3800, s21  }
0x56: {  	s21 =	smov.u32 s22;
	[sflag:s23] =	ssyncset.done @!p0 $0x0  }
0x57: {  	s22 =	sxor.u32 @!p2 $0x7800, s25;
	[sflag:s23] =	ssyncadd.s32 @!p0 $0xFFFFC000;
	s23 =	simm.s32 @!p2 $0x80  }
0x58: {  	[tilespmem:s22], [sflag:$0x1] =	stream.indirect.gather @!p2 [hbm4b:s4+s23], $0x80, s19, s23, $0xb8;
	[tilespmem:$0x1F400] =	vst v63  }
.Ltmp1:
0x59: {  	_ = 	snop;
	(pc) =	sbr.rel @p1 .LBB2_4-.Ltmp1, $4  }
0x5a: {  	s23 =	simm.s32 @!p0 $0x80;
	s22 =	simm.s32 @!p0 $0x2  }
0x5b: {  	[spmem:s1] =	stream.indirect.scatter.add.f32 @!p0 [tilespmem:s24], [sflag:$0x2], $0x80, s18, s23, $0xb8;
	[tilespmem:$0x1F400] =	vst v63  }
0x5c: {  	_ =	swait.ge @!p0 [sflag:s22], $0x4000  }
0x5d: {  	s19 =	sadd.s32 $0x80, s19;
	s18 =	sadd.s32 $0x80, s18;
	[sflag:s22] =	ssyncset.done @!p0 $0x0  }
0x5e: {  	s20 =	sadd.s32 $0xFFFFFFFF, s21  }
0x5f: {  	p1 =	sge.u32 s20, s6  }
0x60: {  	[sflag:s22] =	ssyncadd.s32 @!p0 $0xFFFFC000;
	s22 =	simm.s32 @!p1 $0x1  }
0x61: {  	p0 =	sge.u32 s21, s6;
	s20 =	sand.u32 $0x1, s20;
	_ =	swait.ge @!p1 [sflag:s22], $0x4000  }
0x62: {  	s21 =	sshll.u32 @!p0 s20, $0xE;
	s20 =	sshll.u32 @!p1 s20, $0xE;
	[sflag:s22] =	ssyncset.done @!p1 $0x0  }
0x63: {  	s21 =	sxor.u32 @!p0 $0x7800, s21;
	[sflag:s22] =	ssyncadd.s32 @!p1 $0xFFFFC000;
	s22 =	simm.s32 @!p0 $0x80  }
0x64: {  	[tilespmem:s21], [sflag:$0x1] =	stream.indirect.gather @!p0 [hbm4b:s4+s22], $0x80, s19, s22, $0xb8;
	[tilespmem:$0x1F400] =	vst v63  }
0x65: {  	s19 =	sor.u32 @!p1 $0x3800, s20;
	s20 =	simm.s32 @!p1 $0x80;
	s21 =	simm.s32 @!p1 $0x2  }
0x66: {  	[spmem:s1] =	stream.indirect.scatter.add.f32 @!p1 [tilespmem:s19], [sflag:$0x2], $0x80, s18, s20, $0xb8;
	[tilespmem:$0x1F400] =	vst v63  }
0x67: {  	_ =	swait.ge @!p1 [sflag:s21], $0x4000  }
0x68: {  	s17 =	sadd.s32 $0x1, s17;
	[sflag:s21] =	ssyncset.done @!p1 $0x0  }
0x69: {  	p0 =	sne.s32 s17, s12;
	[sflag:s21] =	ssyncadd.s32 @!p1 $0xFFFFC000  }
.Ltmp2:
0x6a: {  	[bflag:$0x0] =	sbarrier.arrive $0xFFFF;
	(pc) =	sbr.rel @p0 .LBB2_1-.Ltmp2, $4  }
0x6b: {  	[hbm:s11], [sflag:s15] =	dma.local [spmem:s16], $0x2780  }
0x6c: {  	_ =	swait.ge [sflag:s13], $0x2780  }
0x6d: {  	[sflag:s13] =	ssyncset.done $0x0  }
0x6e: {  	[sflag:s13] =	ssyncadd.s32 $0xFFFFD880  }
0x6f: {  	_ =	sfence.sel $0x180000  }
0x70: {  	[bflag:$0x0] =	sbarrier.arrive $0xFFFF  }
0x71: {  	p0 =	sne.s32 s2, $0x0;
	_ =	strace $0x9000004D  }
0x72: {  	s0 =	sadd.s32 @!p0 $0x100000, s0;
	[bflag:$0x2] =	sbarrier.arrive $0xFFFF  }
0x73: {  	[sflag:s0] =	ssyncadd.tile.s32 @!p0 $0x1;
	_ =	shalt  }
.Lfunc_end2:
_tile_overlayer_lowered:
.L_overlay_start_2:
0x74: {  	(tag) =	ssettag $0x2  }
0x75: {  	s0 =	rddreg [dreg:$0x0];
	s2 =	stileid.u32  }
0x76: {  	s1 =	rddreg [dreg:$0x1];
	p0 =	sne.s32 s2, $0x0  }
0x77: {  	s3 =	rddreg [dreg:$0x2];
	[bflag:$0x3] =	sbarrier.arrive $0xFFFF;
	s2 =	simm.s32 @!p0 $0x1C02  }
0x78: {  	[timem:s3], [sflag:s2] =	dma.local @!p0 [hbm:s0], s1  }
0x79: {  	s0 =	simm.s32 @!p0 $0x2  }
0x7a: {  	_ =	swait.ge @!p0 [sflag:s0], s1  }
0x7b: {  	s1 =	ssub.s32 @!p0 $0x0, s1;
	[sflag:s0] =	ssyncset.done @!p0 $0x0  }
0x7c: {  	[sflag:s0] =	ssyncadd.s32 @!p0 s1  }
0x7d: {  	[bflag:$0x3] =	sbarrier.arrive $0xFFFF  }
0x7e: {  	_ =	shalt  }

</sc_bundles>
